<compile_context>
chip_gen: v7x
topology: tpu7x:2x2x1
jax: 0.10.2.dev20260603
libtpu: 0.0.44.dev20260713+nightly
codegen_flags: <defaults>
</compile_context>

<pallas_src>
import functools
import numpy as np
import jax
import jax.numpy as jnp
from jax import lax
from jax.experimental import pallas as pl
from jax.experimental.pallas import tpu as pltpu
from jax.experimental.pallas import tpu_sc as plsc

_FILT = np.arange(0.0, 8.5, 0.5, dtype=np.float32)
_HA = 16
_TN = 200
_CHUNK = 128
_NBUF = 5


def _sc_gather(table, idx2d):
    nrow = idx2d.shape[0]
    rows_total = nrow * _CHUNK
    info = plsc.get_sparse_core_info()
    nw = info.num_cores * info.num_subcores
    rpw = nrow // nw

    idx3 = idx2d.reshape(nw, rpw, _CHUNK)
    mesh = plsc.VectorSubcoreMesh(core_axis_name="c", subcore_axis_name="s")

    @functools.partial(
        pl.kernel,
        mesh=mesh,
        compiler_params=pltpu.CompilerParams(use_tc_tiling_on_sc=False),
        out_type=jax.ShapeDtypeStruct((rows_total, _HA), jnp.float32),
        scratch_types=[
            pltpu.VMEM((rpw, _CHUNK), jnp.int32),
            pltpu.VMEM((_NBUF, _CHUNK, _HA), jnp.float32),
            pltpu.SemaphoreType.DMA,
            pltpu.SemaphoreType.DMA,
        ],
    )
    def k(table_hbm, idx_hbm, out_hbm, idx_v, rows_v, sem_g, sem_w):
        wid = lax.axis_index("s") * info.num_cores + lax.axis_index("c")
        base = wid * rpw

        pltpu.sync_copy(idx_hbm.at[wid], idx_v)

        def body(j, _):
            @pl.when(j > 0)
            def _():
                for p in range(_NBUF):
                    pltpu.make_async_copy(
                        rows_v.at[p],
                        out_hbm.at[pl.ds(base * _CHUNK, _CHUNK)], sem_w).wait()

            gs = [pltpu.async_copy(table_hbm.at[idx_v.at[j * _NBUF + p]],
                                   rows_v.at[p], sem_g)
                  for p in range(_NBUF)]
            for p in range(_NBUF):
                gs[p].wait()
                pltpu.async_copy(
                    rows_v.at[p],
                    out_hbm.at[pl.ds((base + j * _NBUF + p) * _CHUNK, _CHUNK)],
                    sem_w)
            return _

        lax.fori_loop(0, rpw // _NBUF, body, None)
        for p in range(_NBUF):
            pltpu.make_async_copy(
                rows_v.at[p], out_hbm.at[pl.ds(base * _CHUNK, _CHUNK)], sem_w).wait()

    return k(table, idx3)


def _expand(s, m, t):
    tn, c = s.shape
    return jnp.broadcast_to(s[:, None, :], (tn, m, c)).reshape(t, c)


def _gated_halves(dist_ref, gath_ref, atom_ref, filt_ref,
                  w1f, w1c, w2f, w2c, w3f, w3c, bf, bc_):
    d = dist_ref[0]
    t = d.shape[0]
    nbr = jnp.exp(-4.0 * (d - filt_ref[...]) ** 2)
    g16 = gath_ref[...]
    a16 = atom_ref[0]
    m = t // a16.shape[0]
    gf = (jnp.dot(nbr, w3f[...], preferred_element_type=jnp.float32)
          + jnp.dot(g16, w2f[...], preferred_element_type=jnp.float32)
          + _expand(jnp.dot(a16, w1f[...], preferred_element_type=jnp.float32), m, t)
          + bf[...])
    gc = (jnp.dot(nbr, w3c[...], preferred_element_type=jnp.float32)
          + jnp.dot(g16, w2c[...], preferred_element_type=jnp.float32)
          + _expand(jnp.dot(a16, w1c[...], preferred_element_type=jnp.float32), m, t)
          + bc_[...])
    return gf, gc


def _pass1_body(dist_ref, gath_ref, atom_ref, filt_ref,
                w1f, w1c, w2f, w2c, w3f, w3c, bf, bc_, stats_ref):
    gf, gc = _gated_halves(dist_ref, gath_ref, atom_ref, filt_ref,
                           w1f, w1c, w2f, w2c, w3f, w3c, bf, bc_)
    st = jnp.concatenate(
        [jnp.sum(gf, 0, keepdims=True), jnp.sum(gf * gf, 0, keepdims=True),
         jnp.sum(gc, 0, keepdims=True), jnp.sum(gc * gc, 0, keepdims=True)], axis=0)

    @pl.when((pl.program_id(0) == 0) & (pl.program_id(1) == 0))
    def _():
        stats_ref[...] = jnp.zeros_like(stats_ref)

    stats_ref[...] += st


def _pass2_body(dist_ref, gath_ref, atom_ref, filt_ref,
                w1f, w1c, w2f, w2c, w3f, w3c, bf, bc_,
                af_ref, cf_ref, ac_ref, cc_ref, sum_ref, stats_ref):
    gf, gc = _gated_halves(dist_ref, gath_ref, atom_ref, filt_ref,
                           w1f, w1c, w2f, w2c, w3f, w3c, bf, bc_)
    filt = jax.nn.sigmoid(gf * af_ref[...] + cf_ref[...])
    core = jnp.maximum(gc * ac_ref[...] + cc_ref[...], 0.0)
    prod = filt * core
    tn = atom_ref.shape[1]
    sm = jnp.sum(prod.reshape(tn, prod.shape[0] // tn, prod.shape[1]), axis=1)
    sum_ref[...] = sm[None]
    st = jnp.concatenate(
        [jnp.sum(sm, 0, keepdims=True), jnp.sum(sm * sm, 0, keepdims=True)], axis=0)

    @pl.when((pl.program_id(0) == 0) & (pl.program_id(1) == 0))
    def _():
        stats_ref[...] = jnp.zeros_like(stats_ref)

    stats_ref[...] += st


def _pass3_body(sum_ref, atom_ref, a2_ref, c2_ref, out_ref):
    out_ref[...] = jnp.maximum(
        atom_ref[...] + sum_ref[...] * a2_ref[...] + c2_ref[...], 0.0)


def _head_body(atom_ref, wc_ref, bcl_ref, out_ref):
    rows = [jnp.sum(atom_ref[b], axis=0, keepdims=True) for b in range(atom_ref.shape[0])]
    pooled = jnp.concatenate(rows, axis=0) * (1.0 / atom_ref.shape[1])
    logits = jnp.dot(pooled, wc_ref[...], preferred_element_type=jnp.float32) + bcl_ref[...]
    m = jnp.max(logits, axis=-1, keepdims=True)
    ex = jnp.exp(logits - m)
    out_ref[...] = ex / jnp.sum(ex, axis=-1, keepdims=True)


def kernel(data, atom_table, params, Wc, bc):
    B, N, n2 = data.shape
    M = n2 // 2
    T = _TN * M
    nb = N // _TN
    R = B * N * M

    dist = data[:, :, :M]
    nbr_idx = data[:, :, M:].astype(jnp.int32)

    dist_c = dist.reshape(B, N * M, 1)
    idx_flat = nbr_idx.reshape(B, N * M)
    idx_l1 = idx_flat.reshape(R // _CHUNK, _CHUNK)
    offs = (jnp.arange(B, dtype=jnp.int32) * N)[:, None]
    idx_l2 = (idx_flat + offs).reshape(R // _CHUNK, _CHUNK)

    filt_arr = jnp.asarray(_FILT)[None]

    emb = jnp.broadcast_to(atom_table[None], (B, N, _HA))

    grid = (B, nb)
    full = lambda shape: pl.BlockSpec(shape, lambda b, i: (0,) * len(shape))
    gath_spec = pl.BlockSpec((T, _HA), lambda b, i: (b * nb + i, 0))
    dist_spec = pl.BlockSpec((1, T, 1), lambda b, i: (b, i, 0))
    atom_spec = pl.BlockSpec((1, _TN, _HA), lambda b, i: (b, i, 0))

    for layer, p in enumerate(params):
        W = p['W']
        w1f, w1c = W[:_HA, :_HA], W[:_HA, _HA:]
        w2f, w2c = W[_HA:2 * _HA, :_HA], W[_HA:2 * _HA, _HA:]
        w3f, w3c = W[2 * _HA:, :_HA], W[2 * _HA:, _HA:]
        bf, bc_ = p['b'][None, :_HA], p['b'][None, _HA:]

        if layer == 0:
            gath = _sc_gather(atom_table, idx_l1)
        else:
            gath = _sc_gather(emb.reshape(B * N, _HA), idx_l2)

        win = [full(w1f.shape), full(w1c.shape), full(w2f.shape), full(w2c.shape),
               full(w3f.shape), full(w3c.shape), full(bf.shape), full(bc_.shape)]

        stats1 = pl.pallas_call(
            _pass1_body,
            grid=grid,
            in_specs=[dist_spec, gath_spec, atom_spec, full(filt_arr.shape)] + win,
            out_specs=full((4, _HA)),
            out_shape=jax.ShapeDtypeStruct((4, _HA), jnp.float32),
        )(dist_c, gath, emb, filt_arr, w1f, w1c, w2f, w2c, w3f, w3c, bf, bc_)

        cnt1 = float(B * N * M)
        muf, mu2f = stats1[0] / cnt1, stats1[1] / cnt1
        muc, mu2c = stats1[2] / cnt1, stats1[3] / cnt1
        invf = jax.lax.rsqrt(mu2f - muf * muf + 1e-5)
        invc = jax.lax.rsqrt(mu2c - muc * muc + 1e-5)
        af = (p['gh'][:_HA] * invf)[None]
        cf = (p['bh'][:_HA] - muf * p['gh'][:_HA] * invf)[None]
        ac = (p['gh'][_HA:] * invc)[None]
        cc = (p['bh'][_HA:] - muc * p['gh'][_HA:] * invc)[None]

        summed, stats2 = pl.pallas_call(
            _pass2_body,
            grid=grid,
            in_specs=[dist_spec, gath_spec, atom_spec, full(filt_arr.shape)] + win +
                     [full((1, _HA)), full((1, _HA)), full((1, _HA)), full((1, _HA))],
            out_specs=[atom_spec, full((2, _HA))],
            out_shape=[jax.ShapeDtypeStruct((B, N, _HA), jnp.float32),
                       jax.ShapeDtypeStruct((2, _HA), jnp.float32)],
        )(dist_c, gath, emb, filt_arr, w1f, w1c, w2f, w2c, w3f, w3c,
          bf, bc_, af, cf, ac, cc)

        cnt2 = float(B * N)
        mu2 = stats2[0] / cnt2
        var2 = stats2[1] / cnt2 - mu2 * mu2
        inv2 = jax.lax.rsqrt(var2 + 1e-5)
        a2 = (p['go'] * inv2)[None, None]
        c2 = (p['bo'] - mu2 * p['go'] * inv2)[None, None]

        emb = pl.pallas_call(
            _pass3_body,
            grid=(B,),
            in_specs=[pl.BlockSpec((1, N, _HA), lambda b: (b, 0, 0)),
                      pl.BlockSpec((1, N, _HA), lambda b: (b, 0, 0)),
                      pl.BlockSpec((1, 1, _HA), lambda b: (0, 0, 0)),
                      pl.BlockSpec((1, 1, _HA), lambda b: (0, 0, 0))],
            out_specs=pl.BlockSpec((1, N, _HA), lambda b: (b, 0, 0)),
            out_shape=jax.ShapeDtypeStruct((B, N, _HA), jnp.float32),
        )(summed, emb, a2, c2)

    out = pl.pallas_call(
        _head_body,
        in_specs=[pl.BlockSpec(emb.shape, lambda: (0, 0, 0)),
                  pl.BlockSpec(Wc.shape, lambda: (0, 0)),
                  pl.BlockSpec((1, Wc.shape[1]), lambda: (0, 0))],
        out_specs=pl.BlockSpec((B, Wc.shape[1]), lambda: (0, 0)),
        out_shape=jax.ShapeDtypeStruct((B, Wc.shape[1]), jnp.float32),
    )(emb, Wc, bc[None])
    return out

# --- scband reference (transcript-rebuilt; emitter-appended) ---
"""Pipeline reference for scband-graph-vamp-net-5385888989221 (READ-ONLY COPY).

The authoritative reference and input builder live on the scoring server;
editing this copy changes nothing except your own understanding.
"""

import jax, jax.numpy as jnp
import numpy as np

NUM_ATOMS = 1000
NUM_NEIGHBORS = 32
H_A = 16
N_CONV = 2
N_CLASSES = 8
DMIN, DMAX, STEP = 0.0, 8.0, 0.5
FILTERS = jnp.asarray(np.arange(DMIN, DMAX + STEP, STEP), dtype=jnp.float32)
H_B = int(FILTERS.shape[0])  # 17
B = 16


def _bn(x, gamma, beta, eps=1e-5):
    # training-mode BatchNorm1d over flattened leading dim, matching nn.BatchNorm1d on .view(-1, C)
    mu = jnp.mean(x, axis=0)
    var = jnp.var(x, axis=0)
    return (x - mu) / jnp.sqrt(var + eps) * gamma + beta


def setup_inputs(seed: int = 0) -> dict:
    key = jax.random.key(seed)
    ks = jax.random.split(key, 5 + N_CONV)
    # data packs [distances | neighbor indices] along last dim, as in the torch forward
    dist = jax.random.uniform(ks[0], (B, NUM_ATOMS, NUM_NEIGHBORS), minval=DMIN, maxval=DMAX)
    idx = jax.random.randint(ks[1], (B, NUM_ATOMS, NUM_NEIGHBORS), 0, NUM_ATOMS).astype(jnp.float32)
    data = jnp.concatenate([dist, idx], axis=-1).astype(jnp.float32)
    atom_table = jax.random.normal(ks[2], (NUM_ATOMS, H_A), dtype=jnp.float32)
    params = []
    for l in range(N_CONV):
        k0, k1 = jax.random.split(ks[3 + l], 2)
        params.append({
            'W': (jax.random.normal(k0, (2 * H_A + H_B, 2 * H_A), dtype=jnp.float32) * 0.05),
            'b': jnp.zeros((2 * H_A,), dtype=jnp.float32),
            'gh': jnp.ones((2 * H_A,), dtype=jnp.float32),
            'bh': jnp.zeros((2 * H_A,), dtype=jnp.float32),
            'go': jnp.ones((H_A,), dtype=jnp.float32),
            'bo': jnp.zeros((H_A,), dtype=jnp.float32),
        })
    Wc = jax.random.normal(ks[3 + N_CONV], (H_A, N_CLASSES), dtype=jnp.float32) * 0.05
    bc = jnp.zeros((N_CLASSES,), dtype=jnp.float32)
    return {'data': data, 'atom_table': atom_table, 'params': params, 'Wc': Wc, 'bc': bc}


def reference(data, atom_table, params, Wc, bc):
    n = data.shape[-1]
    M = n // 2
    Bb, N = data.shape[0], data.shape[1]
    nbr_dist = data[:, :, :M]
    nbr_idx = jax.lax.stop_gradient(data[:, :, M:]).astype(jnp.int32)
    # GaussianDistance.expand
    nbr_emb = jnp.exp(-((nbr_dist[..., None] - FILTERS) ** 2) / (STEP ** 2))  # [B,N,M,H_B]
    # atom embedding lookup with arange(N) per batch element
    atom_emb = jnp.broadcast_to(atom_table[jnp.arange(N)][None], (Bb, N, H_A))
    for p in params:
        flat_idx = nbr_idx.reshape(Bb, N * M)
        gathered = jnp.take_along_axis(atom_emb, flat_idx[:, :, None], axis=1).reshape(Bb, N, M, H_A)
        self_emb = jnp.broadcast_to(atom_emb[:, :, None, :], (Bb, N, M, H_A))
        total = jnp.concatenate([self_emb, gathered, nbr_emb], axis=-1)  # [B,N,M,2h_a+h_b]
        gated = total @ p['W'] + p['b']
        gated = _bn(gated.reshape(-1, 2 * H_A), p['gh'], p['bh']).reshape(Bb, N, M, 2 * H_A)
        nbr_filter = jax.nn.sigmoid(gated[..., :H_A])
        nbr_core = jax.nn.relu(gated[..., H_A:])
        summed = jnp.sum(nbr_filter * nbr_core, axis=2)
        summed = _bn(summed.reshape(-1, H_A), p['go'], p['bo']).reshape(Bb, N, H_A)
        atom_emb = jax.nn.relu(atom_emb + summed)
    emb = jax.nn.relu(atom_emb)
    prot_emb = jnp.sum(emb, axis=1) / NUM_ATOMS
    logits = prot_emb @ Wc + bc
    return jax.nn.softmax(logits, axis=-1)

if __name__ == "__main__":
    import jax
    _d = setup_inputs()
    print(jax.jit(kernel)(*tuple(_d.values())))

</pallas_src>

<mosaic_0001>
#map = affine_map<(d0, d1) -> (0, 0)>
#map1 = affine_map<(d0, d1) -> (0, 0, 0)>
module attributes {stable_mosaic.version = 14 : i64} {
  func.func @k(%arg0: i32, %arg1: i32, %arg2: memref<16000x16xf32, #tpu.memory_space<hbm>>, %arg3: memref<32x125x128xi32, #tpu.memory_space<hbm>>, %arg4: memref<512000x16xf32, #tpu.memory_space<hbm>>, %arg5: memref<125x128xi32, #tpu.memory_space<vmem>>, %arg6: memref<5x128x16xf32, #tpu.memory_space<vmem>>, %arg7: memref<!tpu.dma_semaphore, #tpu.memory_space<semaphore_mem>>, %arg8: memref<!tpu.dma_semaphore, #tpu.memory_space<semaphore_mem>>) attributes {dimension_semantics = [#tpu.dimension_semantics<core_parallel>, #tpu.dimension_semantics<subcore_parallel>], iteration_bounds = array<i64: 2, 16>, scalar_prefetch = 0 : i64, scratch_operands = 4 : i64, tpu.core_type = #tpu.core_type<sc_vector_subcore>, window_params = [{transform_indices = #map}, {transform_indices = #map1}, {transform_indices = #map}]} {
    %mul3A = arith.constant 2 : i32
    %mul3A_0 = arith.muli %arg1, %mul3A : i32
    %add3A = arith.addi %mul3A_0, %arg0 : i32
    %mul3A_1 = arith.constant 125 : i32
    %mul3A_2 = arith.muli %add3A, %mul3A_1 : i32
    "tpu.region"() ({
      %run_scoped3A = tpu.sem_alloc : memref<!tpu.dma_semaphore, #tpu.memory_space<semaphore_mem>>
      %dma_start3A = arith.constant 0 : i32
      %dma_start3A_81 = arith.constant 0 : i32
      %dma_start3A_82 = tpu.memref_slice %arg3[%add3A, %dma_start3A, %dma_start3A_81] : memref<32x125x128xi32, #tpu.memory_space<hbm>> -> memref<1x125x128xi32, #tpu.memory_space<hbm>>
      %dma_start3A_83 = tpu.memref_squeeze %dma_start3A_82 : memref<1x125x128xi32, #tpu.memory_space<hbm>> -> memref<125x128xi32, #tpu.memory_space<hbm>>
      %dma_start3A_84 = arith.constant 0 : i32
      %dma_start3A_85 = arith.constant 0 : i32
      %dma_start3A_86 = tpu.memref_slice %arg3[%add3A, %dma_start3A_84, %dma_start3A_85] : memref<32x125x128xi32, #tpu.memory_space<hbm>> -> memref<1x125x128xi32, #tpu.memory_space<hbm>>
      %dma_start3A_87 = tpu.memref_squeeze %dma_start3A_86 : memref<1x125x128xi32, #tpu.memory_space<hbm>> -> memref<125x128xi32, #tpu.memory_space<hbm>>
      tpu.enqueue_dma source(%dma_start3A_87 : memref<125x128xi32, #tpu.memory_space<hbm>>) target(%arg5 : memref<125x128xi32, #tpu.memory_space<vmem>>) target_semaphore(%run_scoped3A : memref<!tpu.dma_semaphore, #tpu.memory_space<semaphore_mem>>)
      %dma_wait3A_88 = arith.constant 0 : i32
      %dma_wait3A_89 = arith.constant 0 : i32
      %dma_wait3A_90 = tpu.memref_slice %arg3[%add3A, %dma_wait3A_88, %dma_wait3A_89] : memref<32x125x128xi32, #tpu.memory_space<hbm>> -> memref<1x125x128xi32, #tpu.memory_space<hbm>>
      %dma_wait3A_91 = tpu.memref_squeeze %dma_wait3A_90 : memref<1x125x128xi32, #tpu.memory_space<hbm>> -> memref<125x128xi32, #tpu.memory_space<hbm>>
      %dma_wait3A_92 = arith.constant 0 : i32
      %dma_wait3A_93 = arith.constant 0 : i32
      %dma_wait3A_94 = tpu.memref_slice %arg3[%add3A, %dma_wait3A_92, %dma_wait3A_93] : memref<32x125x128xi32, #tpu.memory_space<hbm>> -> memref<1x125x128xi32, #tpu.memory_space<hbm>>
      %dma_wait3A_95 = tpu.memref_squeeze %dma_wait3A_94 : memref<1x125x128xi32, #tpu.memory_space<hbm>> -> memref<125x128xi32, #tpu.memory_space<hbm>>
      tpu.wait_dma2 semaphore(%run_scoped3A : memref<!tpu.dma_semaphore, #tpu.memory_space<semaphore_mem>>) src(%dma_wait3A_95 : memref<125x128xi32, #tpu.memory_space<hbm>>) dst(%arg5 : memref<125x128xi32, #tpu.memory_space<vmem>>)
      tpu.yield
    }) : () -> ()
    %scan3A = arith.constant 0 : i32
    %scan3A_3 = arith.constant 25 : i32
    %scan3A_4 = arith.addi %scan3A, %scan3A_3 : i32
    %scan3A_5 = arith.constant 1 : i32
    scf.for %scan3A_81 = %scan3A to %scan3A_4 step %scan3A_5  : i32 {
      %gt3A = arith.constant 0 : i32
      %gt3A_82 = arith.cmpi sgt, %scan3A_81, %gt3A : i32
      %convert_element_type3A = arith.extui %gt3A_82 : i1 to i32
      %cond3A = arith.constant 0 : i32
      %cond3A_83 = arith.cmpi ne, %convert_element_type3A, %cond3A : i32
      scf.if %cond3A_83 {
        %mul3A_313 = arith.constant 128 : i32
        %mul3A_314 = arith.muli %mul3A_2, %mul3A_313 : i32
        %dma_wait3A_315 = arith.constant 0 : i32
        %dma_wait3A_316 = arith.constant 0 : i32
        %dma_wait3A_317 = arith.constant 0 : i32
        %dma_wait3A_318 = tpu.memref_slice %arg6[%dma_wait3A_315, %dma_wait3A_316, %dma_wait3A_317] : memref<5x128x16xf32, #tpu.memory_space<vmem>> -> memref<1x128x16xf32, #tpu.memory_space<vmem>>
        %dma_wait3A_319 = tpu.memref_squeeze %dma_wait3A_318 : memref<1x128x16xf32, #tpu.memory_space<vmem>> -> memref<128x16xf32, #tpu.memory_space<vmem>>
        %dma_wait3A_320 = arith.constant 0 : i32
        %dma_wait3A_321 = tpu.memref_slice %arg4[%mul3A_314, %dma_wait3A_320] : memref<512000x16xf32, #tpu.memory_space<hbm>> -> memref<128x16xf32, #tpu.memory_space<hbm>>
        %dma_wait3A_322 = arith.constant 0 : i32
        %dma_wait3A_323 = tpu.memref_slice %arg4[%mul3A_314, %dma_wait3A_322] : memref<512000x16xf32, #tpu.memory_space<hbm>> -> memref<128x16xf32, #tpu.memory_space<hbm>>
        %dma_wait3A_324 = arith.constant 0 : i32
        %dma_wait3A_325 = arith.constant 0 : i32
        %dma_wait3A_326 = tpu.memref_slice %arg6[%dma_wait3A_315, %dma_wait3A_324, %dma_wait3A_325] : memref<5x128x16xf32, #tpu.memory_space<vmem>> -> memref<1x128x16xf32, #tpu.memory_space<vmem>>
        %dma_wait3A_327 = tpu.memref_squeeze %dma_wait3A_326 : memref<1x128x16xf32, #tpu.memory_space<vmem>> -> memref<128x16xf32, #tpu.memory_space<vmem>>
        tpu.wait_dma2 semaphore(%arg8 : memref<!tpu.dma_semaphore, #tpu.memory_space<semaphore_mem>>) src(%dma_wait3A_327 : memref<128x16xf32, #tpu.memory_space<vmem>>) dst(%dma_wait3A_323 : memref<128x16xf32, #tpu.memory_space<hbm>>)
        %mul3A_328 = arith.constant 128 : i32
        %mul3A_329 = arith.muli %mul3A_2, %mul3A_328 : i32
        %dma_wait3A_330 = arith.constant 1 : i32
        %dma_wait3A_331 = arith.constant 0 : i32
        %dma_wait3A_332 = arith.constant 0 : i32
        %dma_wait3A_333 = tpu.memref_slice %arg6[%dma_wait3A_330, %dma_wait3A_331, %dma_wait3A_332] : memref<5x128x16xf32, #tpu.memory_space<vmem>> -> memref<1x128x16xf32, #tpu.memory_space<vmem>>
        %dma_wait3A_334 = tpu.memref_squeeze %dma_wait3A_333 : memref<1x128x16xf32, #tpu.memory_space<vmem>> -> memref<128x16xf32, #tpu.memory_space<vmem>>
        %dma_wait3A_335 = arith.constant 0 : i32
        %dma_wait3A_336 = tpu.memref_slice %arg4[%mul3A_329, %dma_wait3A_335] : memref<512000x16xf32, #tpu.memory_space<hbm>> -> memref<128x16xf32, #tpu.memory_space<hbm>>
        %dma_wait3A_337 = arith.constant 0 : i32
        %dma_wait3A_338 = tpu.memref_slice %arg4[%mul3A_329, %dma_wait3A_337] : memref<512000x16xf32, #tpu.memory_space<hbm>> -> memref<128x16xf32, #tpu.memory_space<hbm>>
        %dma_wait3A_339 = arith.constant 0 : i32
        %dma_wait3A_340 = arith.constant 0 : i32
        %dma_wait3A_341 = tpu.memref_slice %arg6[%dma_wait3A_330, %dma_wait3A_339, %dma_wait3A_340] : memref<5x128x16xf32, #tpu.memory_space<vmem>> -> memref<1x128x16xf32, #tpu.memory_space<vmem>>
        %dma_wait3A_342 = tpu.memref_squeeze %dma_wait3A_341 : memref<1x128x16xf32, #tpu.memory_space<vmem>> -> memref<128x16xf32, #tpu.memory_space<vmem>>
        tpu.wait_dma2 semaphore(%arg8 : memref<!tpu.dma_semaphore, #tpu.memory_space<semaphore_mem>>) src(%dma_wait3A_342 : memref<128x16xf32, #tpu.memory_space<vmem>>) dst(%dma_wait3A_338 : memref<128x16xf32, #tpu.memory_space<hbm>>)
        %mul3A_343 = arith.constant 128 : i32
        %mul3A_344 = arith.muli %mul3A_2, %mul3A_343 : i32
        %dma_wait3A_345 = arith.constant 2 : i32
        %dma_wait3A_346 = arith.constant 0 : i32
        %dma_wait3A_347 = arith.constant 0 : i32
        %dma_wait3A_348 = tpu.memref_slice %arg6[%dma_wait3A_345, %dma_wait3A_346, %dma_wait3A_347] : memref<5x128x16xf32, #tpu.memory_space<vmem>> -> memref<1x128x16xf32, #tpu.memory_space<vmem>>
        %dma_wait3A_349 = tpu.memref_squeeze %dma_wait3A_348 : memref<1x128x16xf32, #tpu.memory_space<vmem>> -> memref<128x16xf32, #tpu.memory_space<vmem>>
        %dma_wait3A_350 = arith.constant 0 : i32
        %dma_wait3A_351 = tpu.memref_slice %arg4[%mul3A_344, %dma_wait3A_350] : memref<512000x16xf32, #tpu.memory_space<hbm>> -> memref<128x16xf32, #tpu.memory_space<hbm>>
        %dma_wait3A_352 = arith.constant 0 : i32
        %dma_wait3A_353 = tpu.memref_slice %arg4[%mul3A_344, %dma_wait3A_352] : memref<512000x16xf32, #tpu.memory_space<hbm>> -> memref<128x16xf32, #tpu.memory_space<hbm>>
        %dma_wait3A_354 = arith.constant 0 : i32
        %dma_wait3A_355 = arith.constant 0 : i32
        %dma_wait3A_356 = tpu.memref_slice %arg6[%dma_wait3A_345, %dma_wait3A_354, %dma_wait3A_355] : memref<5x128x16xf32, #tpu.memory_space<vmem>> -> memref<1x128x16xf32, #tpu.memory_space<vmem>>
        %dma_wait3A_357 = tpu.memref_squeeze %dma_wait3A_356 : memref<1x128x16xf32, #tpu.memory_space<vmem>> -> memref<128x16xf32, #tpu.memory_space<vmem>>
        tpu.wait_dma2 semaphore(%arg8 : memref<!tpu.dma_semaphore, #tpu.memory_space<semaphore_mem>>) src(%dma_wait3A_357 : memref<128x16xf32, #tpu.memory_space<vmem>>) dst(%dma_wait3A_353 : memref<128x16xf32, #tpu.memory_space<hbm>>)
        %mul3A_358 = arith.constant 128 : i32
        %mul3A_359 = arith.muli %mul3A_2, %mul3A_358 : i32
        %dma_wait3A_360 = arith.constant 3 : i32
        %dma_wait3A_361 = arith.constant 0 : i32
        %dma_wait3A_362 = arith.constant 0 : i32
        %dma_wait3A_363 = tpu.memref_slice %arg6[%dma_wait3A_360, %dma_wait3A_361, %dma_wait3A_362] : memref<5x128x16xf32, #tpu.memory_space<vmem>> -> memref<1x128x16xf32, #tpu.memory_space<vmem>>
        %dma_wait3A_364 = tpu.memref_squeeze %dma_wait3A_363 : memref<1x128x16xf32, #tpu.memory_space<vmem>> -> memref<128x16xf32, #tpu.memory_space<vmem>>
        %dma_wait3A_365 = arith.constant 0 : i32
        %dma_wait3A_366 = tpu.memref_slice %arg4[%mul3A_359, %dma_wait3A_365] : memref<512000x16xf32, #tpu.memory_space<hbm>> -> memref<128x16xf32, #tpu.memory_space<hbm>>
        %dma_wait3A_367 = arith.constant 0 : i32
        %dma_wait3A_368 = tpu.memref_slice %arg4[%mul3A_359, %dma_wait3A_367] : memref<512000x16xf32, #tpu.memory_space<hbm>> -> memref<128x16xf32, #tpu.memory_space<hbm>>
        %dma_wait3A_369 = arith.constant 0 : i32
        %dma_wait3A_370 = arith.constant 0 : i32
        %dma_wait3A_371 = tpu.memref_slice %arg6[%dma_wait3A_360, %dma_wait3A_369, %dma_wait3A_370] : memref<5x128x16xf32, #tpu.memory_space<vmem>> -> memref<1x128x16xf32, #tpu.memory_space<vmem>>
        %dma_wait3A_372 = tpu.memref_squeeze %dma_wait3A_371 : memref<1x128x16xf32, #tpu.memory_space<vmem>> -> memref<128x16xf32, #tpu.memory_space<vmem>>
        tpu.wait_dma2 semaphore(%arg8 : memref<!tpu.dma_semaphore, #tpu.memory_space<semaphore_mem>>) src(%dma_wait3A_372 : memref<128x16xf32, #tpu.memory_space<vmem>>) dst(%dma_wait3A_368 : memref<128x16xf32, #tpu.memory_space<hbm>>)
        %mul3A_373 = arith.constant 128 : i32
        %mul3A_374 = arith.muli %mul3A_2, %mul3A_373 : i32
        %dma_wait3A_375 = arith.constant 4 : i32
        %dma_wait3A_376 = arith.constant 0 : i32
        %dma_wait3A_377 = arith.constant 0 : i32
        %dma_wait3A_378 = tpu.memref_slice %arg6[%dma_wait3A_375, %dma_wait3A_376, %dma_wait3A_377] : memref<5x128x16xf32, #tpu.memory_space<vmem>> -> memref<1x128x16xf32, #tpu.memory_space<vmem>>
        %dma_wait3A_379 = tpu.memref_squeeze %dma_wait3A_378 : memref<1x128x16xf32, #tpu.memory_space<vmem>> -> memref<128x16xf32, #tpu.memory_space<vmem>>
        %dma_wait3A_380 = arith.constant 0 : i32
        %dma_wait3A_381 = tpu.memref_slice %arg4[%mul3A_374, %dma_wait3A_380] : memref<512000x16xf32, #tpu.memory_space<hbm>> -> memref<128x16xf32, #tpu.memory_space<hbm>>
        %dma_wait3A_382 = arith.constant 0 : i32
        %dma_wait3A_383 = tpu.memref_slice %arg4[%mul3A_374, %dma_wait3A_382] : memref<512000x16xf32, #tpu.memory_space<hbm>> -> memref<128x16xf32, #tpu.memory_space<hbm>>
        %dma_wait3A_384 = arith.constant 0 : i32
        %dma_wait3A_385 = arith.constant 0 : i32
        %dma_wait3A_386 = tpu.memref_slice %arg6[%dma_wait3A_375, %dma_wait3A_384, %dma_wait3A_385] : memref<5x128x16xf32, #tpu.memory_space<vmem>> -> memref<1x128x16xf32, #tpu.memory_space<vmem>>
        %dma_wait3A_387 = tpu.memref_squeeze %dma_wait3A_386 : memref<1x128x16xf32, #tpu.memory_space<vmem>> -> memref<128x16xf32, #tpu.memory_space<vmem>>
        tpu.wait_dma2 semaphore(%arg8 : memref<!tpu.dma_semaphore, #tpu.memory_space<semaphore_mem>>) src(%dma_wait3A_387 : memref<128x16xf32, #tpu.memory_space<vmem>>) dst(%dma_wait3A_383 : memref<128x16xf32, #tpu.memory_space<hbm>>)
      } else {
      }
      %mul3A_84 = arith.constant 5 : i32
      %mul3A_85 = arith.muli %scan3A_81, %mul3A_84 : i32
      %add3A_86 = arith.constant 0 : i32
      %add3A_87 = arith.addi %mul3A_85, %add3A_86 : i32
      %dma_start3A = arith.constant 0 : i32
      %dma_start3A_88 = arith.constant 0 : i32
      %dma_start3A_89 = arith.constant 0 : i32
      %dma_start3A_90 = tpu.memref_slice %arg6[%dma_start3A, %dma_start3A_88, %dma_start3A_89] : memref<5x128x16xf32, #tpu.memory_space<vmem>> -> memref<1x128x16xf32, #tpu.memory_space<vmem>>
      %dma_start3A_91 = tpu.memref_squeeze %dma_start3A_90 : memref<1x128x16xf32, #tpu.memory_space<vmem>> -> memref<128x16xf32, #tpu.memory_space<vmem>>
      %dma_start3A_92 = arith.constant 0 : i32
      %dma_start3A_93 = tpu.memref_slice %arg5[%add3A_87, %dma_start3A_92] : memref<125x128xi32, #tpu.memory_space<vmem>> -> memref<1x128xi32, #tpu.memory_space<vmem>>
      %dma_start3A_94 = tpu.memref_squeeze %dma_start3A_93 : memref<1x128xi32, #tpu.memory_space<vmem>> -> memref<128xi32, #tpu.memory_space<vmem>>
      %dma_start3A_95 = arith.constant 0 : i32
      %dma_start3A_96 = arith.constant 0 : i32
      %dma_start3A_97 = tpu.memref_slice %arg2[%dma_start3A_95, %dma_start3A_96] : memref<16000x16xf32, #tpu.memory_space<hbm>> -> memref<16000x16xf32, #tpu.memory_space<hbm>>
      tpu.enqueue_indirect_dma source(%dma_start3A_97 : memref<16000x16xf32, #tpu.memory_space<hbm>>) target(%dma_start3A_91 : memref<128x16xf32, #tpu.memory_space<vmem>>) offsets(%dma_start3A_94 : memref<128xi32, #tpu.memory_space<vmem>>) semaphore(%arg7 : memref<!tpu.dma_semaphore, #tpu.memory_space<semaphore_mem>>)
      %mul3A_98 = arith.constant 5 : i32
      %mul3A_99 = arith.muli %scan3A_81, %mul3A_98 : i32
      %add3A_100 = arith.constant 1 : i32
      %add3A_101 = arith.addi %mul3A_99, %add3A_100 : i32
      %dma_start3A_102 = arith.constant 1 : i32
      %dma_start3A_103 = arith.constant 0 : i32
      %dma_start3A_104 = arith.constant 0 : i32
      %dma_start3A_105 = tpu.memref_slice %arg6[%dma_start3A_102, %dma_start3A_103, %dma_start3A_104] : memref<5x128x16xf32, #tpu.memory_space<vmem>> -> memref<1x128x16xf32, #tpu.memory_space<vmem>>
      %dma_start3A_106 = tpu.memref_squeeze %dma_start3A_105 : memref<1x128x16xf32, #tpu.memory_space<vmem>> -> memref<128x16xf32, #tpu.memory_space<vmem>>
      %dma_start3A_107 = arith.constant 0 : i32
      %dma_start3A_108 = tpu.memref_slice %arg5[%add3A_101, %dma_start3A_107] : memref<125x128xi32, #tpu.memory_space<vmem>> -> memref<1x128xi32, #tpu.memory_space<vmem>>
      %dma_start3A_109 = tpu.memref_squeeze %dma_start3A_108 : memref<1x128xi32, #tpu.memory_space<vmem>> -> memref<128xi32, #tpu.memory_space<vmem>>
      %dma_start3A_110 = arith.constant 0 : i32
      %dma_start3A_111 = arith.constant 0 : i32
      %dma_start3A_112 = tpu.memref_slice %arg2[%dma_start3A_110, %dma_start3A_111] : memref<16000x16xf32, #tpu.memory_space<hbm>> -> memref<16000x16xf32, #tpu.memory_space<hbm>>
      tpu.enqueue_indirect_dma source(%dma_start3A_112 : memref<16000x16xf32, #tpu.memory_space<hbm>>) target(%dma_start3A_106 : memref<128x16xf32, #tpu.memory_space<vmem>>) offsets(%dma_start3A_109 : memref<128xi32, #tpu.memory_space<vmem>>) semaphore(%arg7 : memref<!tpu.dma_semaphore, #tpu.memory_space<semaphore_mem>>)
      %mul3A_113 = arith.constant 5 : i32
      %mul3A_114 = arith.muli %scan3A_81, %mul3A_113 : i32
      %add3A_115 = arith.constant 2 : i32
      %add3A_116 = arith.addi %mul3A_114, %add3A_115 : i32
      %dma_start3A_117 = arith.constant 2 : i32
      %dma_start3A_118 = arith.constant 0 : i32
      %dma_start3A_119 = arith.constant 0 : i32
      %dma_start3A_120 = tpu.memref_slice %arg6[%dma_start3A_117, %dma_start3A_118, %dma_start3A_119] : memref<5x128x16xf32, #tpu.memory_space<vmem>> -> memref<1x128x16xf32, #tpu.memory_space<vmem>>
      %dma_start3A_121 = tpu.memref_squeeze %dma_start3A_120 : memref<1x128x16xf32, #tpu.memory_space<vmem>> -> memref<128x16xf32, #tpu.memory_space<vmem>>
      %dma_start3A_122 = arith.constant 0 : i32
      %dma_start3A_123 = tpu.memref_slice %arg5[%add3A_116, %dma_start3A_122] : memref<125x128xi32, #tpu.memory_space<vmem>> -> memref<1x128xi32, #tpu.memory_space<vmem>>
      %dma_start3A_124 = tpu.memref_squeeze %dma_start3A_123 : memref<1x128xi32, #tpu.memory_space<vmem>> -> memref<128xi32, #tpu.memory_space<vmem>>
      %dma_start3A_125 = arith.constant 0 : i32
      %dma_start3A_126 = arith.constant 0 : i32
      %dma_start3A_127 = tpu.memref_slice %arg2[%dma_start3A_125, %dma_start3A_126] : memref<16000x16xf32, #tpu.memory_space<hbm>> -> memref<16000x16xf32, #tpu.memory_space<hbm>>
      tpu.enqueue_indirect_dma source(%dma_start3A_127 : memref<16000x16xf32, #tpu.memory_space<hbm>>) target(%dma_start3A_121 : memref<128x16xf32, #tpu.memory_space<vmem>>) offsets(%dma_start3A_124 : memref<128xi32, #tpu.memory_space<vmem>>) semaphore(%arg7 : memref<!tpu.dma_semaphore, #tpu.memory_space<semaphore_mem>>)
      %mul3A_128 = arith.constant 5 : i32
      %mul3A_129 = arith.muli %scan3A_81, %mul3A_128 : i32
      %add3A_130 = arith.constant 3 : i32
      %add3A_131 = arith.addi %mul3A_129, %add3A_130 : i32
      %dma_start3A_132 = arith.constant 3 : i32
      %dma_start3A_133 = arith.constant 0 : i32
      %dma_start3A_134 = arith.constant 0 : i32
      %dma_start3A_135 = tpu.memref_slice %arg6[%dma_start3A_132, %dma_start3A_133, %dma_start3A_134] : memref<5x128x16xf32, #tpu.memory_space<vmem>> -> memref<1x128x16xf32, #tpu.memory_space<vmem>>
      %dma_start3A_136 = tpu.memref_squeeze %dma_start3A_135 : memref<1x128x16xf32, #tpu.memory_space<vmem>> -> memref<128x16xf32, #tpu.memory_space<vmem>>
      %dma_start3A_137 = arith.constant 0 : i32
      %dma_start3A_138 = tpu.memref_slice %arg5[%add3A_131, %dma_start3A_137] : memref<125x128xi32, #tpu.memory_space<vmem>> -> memref<1x128xi32, #tpu.memory_space<vmem>>
      %dma_start3A_139 = tpu.memref_squeeze %dma_start3A_138 : memref<1x128xi32, #tpu.memory_space<vmem>> -> memref<128xi32, #tpu.memory_space<vmem>>
      %dma_start3A_140 = arith.constant 0 : i32
      %dma_start3A_141 = arith.constant 0 : i32
      %dma_start3A_142 = tpu.memref_slice %arg2[%dma_start3A_140, %dma_start3A_141] : memref<16000x16xf32, #tpu.memory_space<hbm>> -> memref<16000x16xf32, #tpu.memory_space<hbm>>
      tpu.enqueue_indirect_dma source(%dma_start3A_142 : memref<16000x16xf32, #tpu.memory_space<hbm>>) target(%dma_start3A_136 : memref<128x16xf32, #tpu.memory_space<vmem>>) offsets(%dma_start3A_139 : memref<128xi32, #tpu.memory_space<vmem>>) semaphore(%arg7 : memref<!tpu.dma_semaphore, #tpu.memory_space<semaphore_mem>>)
      %mul3A_143 = arith.constant 5 : i32
      %mul3A_144 = arith.muli %scan3A_81, %mul3A_143 : i32
      %add3A_145 = arith.constant 4 : i32
      %add3A_146 = arith.addi %mul3A_144, %add3A_145 : i32
      %dma_start3A_147 = arith.constant 4 : i32
      %dma_start3A_148 = arith.constant 0 : i32
      %dma_start3A_149 = arith.constant 0 : i32
      %dma_start3A_150 = tpu.memref_slice %arg6[%dma_start3A_147, %dma_start3A_148, %dma_start3A_149] : memref<5x128x16xf32, #tpu.memory_space<vmem>> -> memref<1x128x16xf32, #tpu.memory_space<vmem>>
      %dma_start3A_151 = tpu.memref_squeeze %dma_start3A_150 : memref<1x128x16xf32, #tpu.memory_space<vmem>> -> memref<128x16xf32, #tpu.memory_space<vmem>>
      %dma_start3A_152 = arith.constant 0 : i32
      %dma_start3A_153 = tpu.memref_slice %arg5[%add3A_146, %dma_start3A_152] : memref<125x128xi32, #tpu.memory_space<vmem>> -> memref<1x128xi32, #tpu.memory_space<vmem>>
      %dma_start3A_154 = tpu.memref_squeeze %dma_start3A_153 : memref<1x128xi32, #tpu.memory_space<vmem>> -> memref<128xi32, #tpu.memory_space<vmem>>
      %dma_start3A_155 = arith.constant 0 : i32
      %dma_start3A_156 = arith.constant 0 : i32
      %dma_start3A_157 = tpu.memref_slice %arg2[%dma_start3A_155, %dma_start3A_156] : memref<16000x16xf32, #tpu.memory_space<hbm>> -> memref<16000x16xf32, #tpu.memory_space<hbm>>
      tpu.enqueue_indirect_dma source(%dma_start3A_157 : memref<16000x16xf32, #tpu.memory_space<hbm>>) target(%dma_start3A_151 : memref<128x16xf32, #tpu.memory_space<vmem>>) offsets(%dma_start3A_154 : memref<128xi32, #tpu.memory_space<vmem>>) semaphore(%arg7 : memref<!tpu.dma_semaphore, #tpu.memory_space<semaphore_mem>>)
      %dma_wait3A_158 = arith.constant 0 : i32
      %dma_wait3A_159 = arith.constant 0 : i32
      %dma_wait3A_160 = arith.constant 0 : i32
      %dma_wait3A_161 = tpu.memref_slice %arg6[%dma_wait3A_158, %dma_wait3A_159, %dma_wait3A_160] : memref<5x128x16xf32, #tpu.memory_space<vmem>> -> memref<1x128x16xf32, #tpu.memory_space<vmem>>
      %dma_wait3A_162 = tpu.memref_squeeze %dma_wait3A_161 : memref<1x128x16xf32, #tpu.memory_space<vmem>> -> memref<128x16xf32, #tpu.memory_space<vmem>>
      %dma_wait3A_163 = arith.constant 0 : i32
      %dma_wait3A_164 = tpu.memref_slice %arg5[%add3A_87, %dma_wait3A_163] : memref<125x128xi32, #tpu.memory_space<vmem>> -> memref<1x128xi32, #tpu.memory_space<vmem>>
      %dma_wait3A_165 = tpu.memref_squeeze %dma_wait3A_164 : memref<1x128xi32, #tpu.memory_space<vmem>> -> memref<128xi32, #tpu.memory_space<vmem>>
      %dma_wait3A_166 = arith.constant 0 : i32
      %dma_wait3A_167 = arith.constant 0 : i32
      %dma_wait3A_168 = tpu.memref_slice %arg2[%dma_wait3A_166, %dma_wait3A_167] : memref<16000x16xf32, #tpu.memory_space<hbm>> -> memref<16000x16xf32, #tpu.memory_space<hbm>>
      tpu.wait_indirect_dma semaphore(%arg7 : memref<!tpu.dma_semaphore, #tpu.memory_space<semaphore_mem>>) src(%dma_wait3A_168 : memref<16000x16xf32, #tpu.memory_space<hbm>>) dst(%dma_wait3A_162 : memref<128x16xf32, #tpu.memory_space<vmem>>)
      %mul3A_169 = arith.constant 5 : i32
      %mul3A_170 = arith.muli %scan3A_81, %mul3A_169 : i32
      %add3A_171 = arith.addi %mul3A_2, %mul3A_170 : i32
      %add3A_172 = arith.constant 0 : i32
      %add3A_173 = arith.addi %add3A_171, %add3A_172 : i32
      %mul3A_174 = arith.constant 128 : i32
      %mul3A_175 = arith.muli %add3A_173, %mul3A_174 : i32
      %dma_start3A_176 = arith.constant 0 : i32
      %dma_start3A_177 = arith.constant 0 : i32
      %dma_start3A_178 = arith.constant 0 : i32
      %dma_start3A_179 = tpu.memref_slice %arg6[%dma_start3A_176, %dma_start3A_177, %dma_start3A_178] : memref<5x128x16xf32, #tpu.memory_space<vmem>> -> memref<1x128x16xf32, #tpu.memory_space<vmem>>
      %dma_start3A_180 = tpu.memref_squeeze %dma_start3A_179 : memref<1x128x16xf32, #tpu.memory_space<vmem>> -> memref<128x16xf32, #tpu.memory_space<vmem>>
      %dma_start3A_181 = arith.constant 0 : i32
      %dma_start3A_182 = tpu.memref_slice %arg4[%mul3A_175, %dma_start3A_181] : memref<512000x16xf32, #tpu.memory_space<hbm>> -> memref<128x16xf32, #tpu.memory_space<hbm>>
      %dma_start3A_183 = arith.constant 0 : i32
      %dma_start3A_184 = tpu.memref_slice %arg4[%mul3A_175, %dma_start3A_183] : memref<512000x16xf32, #tpu.memory_space<hbm>> -> memref<128x16xf32, #tpu.memory_space<hbm>>
      %dma_start3A_185 = arith.constant 0 : i32
      %dma_start3A_186 = arith.constant 0 : i32
      %dma_start3A_187 = tpu.memref_slice %arg6[%dma_start3A_176, %dma_start3A_185, %dma_start3A_186] : memref<5x128x16xf32, #tpu.memory_space<vmem>> -> memref<1x128x16xf32, #tpu.memory_space<vmem>>
      %dma_start3A_188 = tpu.memref_squeeze %dma_start3A_187 : memref<1x128x16xf32, #tpu.memory_space<vmem>> -> memref<128x16xf32, #tpu.memory_space<vmem>>
      tpu.enqueue_dma source(%dma_start3A_188 : memref<128x16xf32, #tpu.memory_space<vmem>>) target(%dma_start3A_184 : memref<128x16xf32, #tpu.memory_space<hbm>>) target_semaphore(%arg8 : memref<!tpu.dma_semaphore, #tpu.memory_space<semaphore_mem>>)
      %dma_wait3A_189 = arith.constant 1 : i32
      %dma_wait3A_190 = arith.constant 0 : i32
      %dma_wait3A_191 = arith.constant 0 : i32
      %dma_wait3A_192 = tpu.memref_slice %arg6[%dma_wait3A_189, %dma_wait3A_190, %dma_wait3A_191] : memref<5x128x16xf32, #tpu.memory_space<vmem>> -> memref<1x128x16xf32, #tpu.memory_space<vmem>>
      %dma_wait3A_193 = tpu.memref_squeeze %dma_wait3A_192 : memref<1x128x16xf32, #tpu.memory_space<vmem>> -> memref<128x16xf32, #tpu.memory_space<vmem>>
      %dma_wait3A_194 = arith.constant 0 : i32
      %dma_wait3A_195 = tpu.memref_slice %arg5[%add3A_101, %dma_wait3A_194] : memref<125x128xi32, #tpu.memory_space<vmem>> -> memref<1x128xi32, #tpu.memory_space<vmem>>
      %dma_wait3A_196 = tpu.memref_squeeze %dma_wait3A_195 : memref<1x128xi32, #tpu.memory_space<vmem>> -> memref<128xi32, #tpu.memory_space<vmem>>
      %dma_wait3A_197 = arith.constant 0 : i32
      %dma_wait3A_198 = arith.constant 0 : i32
      %dma_wait3A_199 = tpu.memref_slice %arg2[%dma_wait3A_197, %dma_wait3A_198] : memref<16000x16xf32, #tpu.memory_space<hbm>> -> memref<16000x16xf32, #tpu.memory_space<hbm>>
      tpu.wait_indirect_dma semaphore(%arg7 : memref<!tpu.dma_semaphore, #tpu.memory_space<semaphore_mem>>) src(%dma_wait3A_199 : memref<16000x16xf32, #tpu.memory_space<hbm>>) dst(%dma_wait3A_193 : memref<128x16xf32, #tpu.memory_space<vmem>>)
      %mul3A_200 = arith.constant 5 : i32
      %mul3A_201 = arith.muli %scan3A_81, %mul3A_200 : i32
      %add3A_202 = arith.addi %mul3A_2, %mul3A_201 : i32
      %add3A_203 = arith.constant 1 : i32
      %add3A_204 = arith.addi %add3A_202, %add3A_203 : i32
      %mul3A_205 = arith.constant 128 : i32
      %mul3A_206 = arith.muli %add3A_204, %mul3A_205 : i32
      %dma_start3A_207 = arith.constant 1 : i32
      %dma_start3A_208 = arith.constant 0 : i32
      %dma_start3A_209 = arith.constant 0 : i32
      %dma_start3A_210 = tpu.memref_slice %arg6[%dma_start3A_207, %dma_start3A_208, %dma_start3A_209] : memref<5x128x16xf32, #tpu.memory_space<vmem>> -> memref<1x128x16xf32, #tpu.memory_space<vmem>>
      %dma_start3A_211 = tpu.memref_squeeze %dma_start3A_210 : memref<1x128x16xf32, #tpu.memory_space<vmem>> -> memref<128x16xf32, #tpu.memory_space<vmem>>
      %dma_start3A_212 = arith.constant 0 : i32
      %dma_start3A_213 = tpu.memref_slice %arg4[%mul3A_206, %dma_start3A_212] : memref<512000x16xf32, #tpu.memory_space<hbm>> -> memref<128x16xf32, #tpu.memory_space<hbm>>
      %dma_start3A_214 = arith.constant 0 : i32
      %dma_start3A_215 = tpu.memref_slice %arg4[%mul3A_206, %dma_start3A_214] : memref<512000x16xf32, #tpu.memory_space<hbm>> -> memref<128x16xf32, #tpu.memory_space<hbm>>
      %dma_start3A_216 = arith.constant 0 : i32
      %dma_start3A_217 = arith.constant 0 : i32
      %dma_start3A_218 = tpu.memref_slice %arg6[%dma_start3A_207, %dma_start3A_216, %dma_start3A_217] : memref<5x128x16xf32, #tpu.memory_space<vmem>> -> memref<1x128x16xf32, #tpu.memory_space<vmem>>
      %dma_start3A_219 = tpu.memref_squeeze %dma_start3A_218 : memref<1x128x16xf32, #tpu.memory_space<vmem>> -> memref<128x16xf32, #tpu.memory_space<vmem>>
      tpu.enqueue_dma source(%dma_start3A_219 : memref<128x16xf32, #tpu.memory_space<vmem>>) target(%dma_start3A_215 : memref<128x16xf32, #tpu.memory_space<hbm>>) target_semaphore(%arg8 : memref<!tpu.dma_semaphore, #tpu.memory_space<semaphore_mem>>)
      %dma_wait3A_220 = arith.constant 2 : i32
      %dma_wait3A_221 = arith.constant 0 : i32
      %dma_wait3A_222 = arith.constant 0 : i32
      %dma_wait3A_223 = tpu.memref_slice %arg6[%dma_wait3A_220, %dma_wait3A_221, %dma_wait3A_222] : memref<5x128x16xf32, #tpu.memory_space<vmem>> -> memref<1x128x16xf32, #tpu.memory_space<vmem>>
      %dma_wait3A_224 = tpu.memref_squeeze %dma_wait3A_223 : memref<1x128x16xf32, #tpu.memory_space<vmem>> -> memref<128x16xf32, #tpu.memory_space<vmem>>
      %dma_wait3A_225 = arith.constant 0 : i32
      %dma_wait3A_226 = tpu.memref_slice %arg5[%add3A_116, %dma_wait3A_225] : memref<125x128xi32, #tpu.memory_space<vmem>> -> memref<1x128xi32, #tpu.memory_space<vmem>>
      %dma_wait3A_227 = tpu.memref_squeeze %dma_wait3A_226 : memref<1x128xi32, #tpu.memory_space<vmem>> -> memref<128xi32, #tpu.memory_space<vmem>>
      %dma_wait3A_228 = arith.constant 0 : i32
      %dma_wait3A_229 = arith.constant 0 : i32
      %dma_wait3A_230 = tpu.memref_slice %arg2[%dma_wait3A_228, %dma_wait3A_229] : memref<16000x16xf32, #tpu.memory_space<hbm>> -> memref<16000x16xf32, #tpu.memory_space<hbm>>
      tpu.wait_indirect_dma semaphore(%arg7 : memref<!tpu.dma_semaphore, #tpu.memory_space<semaphore_mem>>) src(%dma_wait3A_230 : memref<16000x16xf32, #tpu.memory_space<hbm>>) dst(%dma_wait3A_224 : memref<128x16xf32, #tpu.memory_space<vmem>>)
      %mul3A_231 = arith.constant 5 : i32
      %mul3A_232 = arith.muli %scan3A_81, %mul3A_231 : i32
      %add3A_233 = arith.addi %mul3A_2, %mul3A_232 : i32
      %add3A_234 = arith.constant 2 : i32
      %add3A_235 = arith.addi %add3A_233, %add3A_234 : i32
      %mul3A_236 = arith.constant 128 : i32
      %mul3A_237 = arith.muli %add3A_235, %mul3A_236 : i32
      %dma_start3A_238 = arith.constant 2 : i32
      %dma_start3A_239 = arith.constant 0 : i32
      %dma_start3A_240 = arith.constant 0 : i32
      %dma_start3A_241 = tpu.memref_slice %arg6[%dma_start3A_238, %dma_start3A_239, %dma_start3A_240] : memref<5x128x16xf32, #tpu.memory_space<vmem>> -> memref<1x128x16xf32, #tpu.memory_space<vmem>>
      %dma_start3A_242 = tpu.memref_squeeze %dma_start3A_241 : memref<1x128x16xf32, #tpu.memory_space<vmem>> -> memref<128x16xf32, #tpu.memory_space<vmem>>
      %dma_start3A_243 = arith.constant 0 : i32
      %dma_start3A_244 = tpu.memref_slice %arg4[%mul3A_237, %dma_start3A_243] : memref<512000x16xf32, #tpu.memory_space<hbm>> -> memref<128x16xf32, #tpu.memory_space<hbm>>
      %dma_start3A_245 = arith.constant 0 : i32
      %dma_start3A_246 = tpu.memref_slice %arg4[%mul3A_237, %dma_start3A_245] : memref<512000x16xf32, #tpu.memory_space<hbm>> -> memref<128x16xf32, #tpu.memory_space<hbm>>
      %dma_start3A_247 = arith.constant 0 : i32
      %dma_start3A_248 = arith.constant 0 : i32
      %dma_start3A_249 = tpu.memref_slice %arg6[%dma_start3A_238, %dma_start3A_247, %dma_start3A_248] : memref<5x128x16xf32, #tpu.memory_space<vmem>> -> memref<1x128x16xf32, #tpu.memory_space<vmem>>
      %dma_start3A_250 = tpu.memref_squeeze %dma_start3A_249 : memref<1x128x16xf32, #tpu.memory_space<vmem>> -> memref<128x16xf32, #tpu.memory_space<vmem>>
      tpu.enqueue_dma source(%dma_start3A_250 : memref<128x16xf32, #tpu.memory_space<vmem>>) target(%dma_start3A_246 : memref<128x16xf32, #tpu.memory_space<hbm>>) target_semaphore(%arg8 : memref<!tpu.dma_semaphore, #tpu.memory_space<semaphore_mem>>)
      %dma_wait3A_251 = arith.constant 3 : i32
      %dma_wait3A_252 = arith.constant 0 : i32
      %dma_wait3A_253 = arith.constant 0 : i32
      %dma_wait3A_254 = tpu.memref_slice %arg6[%dma_wait3A_251, %dma_wait3A_252, %dma_wait3A_253] : memref<5x128x16xf32, #tpu.memory_space<vmem>> -> memref<1x128x16xf32, #tpu.memory_space<vmem>>
      %dma_wait3A_255 = tpu.memref_squeeze %dma_wait3A_254 : memref<1x128x16xf32, #tpu.memory_space<vmem>> -> memref<128x16xf32, #tpu.memory_space<vmem>>
      %dma_wait3A_256 = arith.constant 0 : i32
      %dma_wait3A_257 = tpu.memref_slice %arg5[%add3A_131, %dma_wait3A_256] : memref<125x128xi32, #tpu.memory_space<vmem>> -> memref<1x128xi32, #tpu.memory_space<vmem>>
      %dma_wait3A_258 = tpu.memref_squeeze %dma_wait3A_257 : memref<1x128xi32, #tpu.memory_space<vmem>> -> memref<128xi32, #tpu.memory_space<vmem>>
      %dma_wait3A_259 = arith.constant 0 : i32
      %dma_wait3A_260 = arith.constant 0 : i32
      %dma_wait3A_261 = tpu.memref_slice %arg2[%dma_wait3A_259, %dma_wait3A_260] : memref<16000x16xf32, #tpu.memory_space<hbm>> -> memref<16000x16xf32, #tpu.memory_space<hbm>>
      tpu.wait_indirect_dma semaphore(%arg7 : memref<!tpu.dma_semaphore, #tpu.memory_space<semaphore_mem>>) src(%dma_wait3A_261 : memref<16000x16xf32, #tpu.memory_space<hbm>>) dst(%dma_wait3A_255 : memref<128x16xf32, #tpu.memory_space<vmem>>)
      %mul3A_262 = arith.constant 5 : i32
      %mul3A_263 = arith.muli %scan3A_81, %mul3A_262 : i32
      %add3A_264 = arith.addi %mul3A_2, %mul3A_263 : i32
      %add3A_265 = arith.constant 3 : i32
      %add3A_266 = arith.addi %add3A_264, %add3A_265 : i32
      %mul3A_267 = arith.constant 128 : i32
      %mul3A_268 = arith.muli %add3A_266, %mul3A_267 : i32
      %dma_start3A_269 = arith.constant 3 : i32
      %dma_start3A_270 = arith.constant 0 : i32
      %dma_start3A_271 = arith.constant 0 : i32
      %dma_start3A_272 = tpu.memref_slice %arg6[%dma_start3A_269, %dma_start3A_270, %dma_start3A_271] : memref<5x128x16xf32, #tpu.memory_space<vmem>> -> memref<1x128x16xf32, #tpu.memory_space<vmem>>
      %dma_start3A_273 = tpu.memref_squeeze %dma_start3A_272 : memref<1x128x16xf32, #tpu.memory_space<vmem>> -> memref<128x16xf32, #tpu.memory_space<vmem>>
      %dma_start3A_274 = arith.constant 0 : i32
      %dma_start3A_275 = tpu.memref_slice %arg4[%mul3A_268, %dma_start3A_274] : memref<512000x16xf32, #tpu.memory_space<hbm>> -> memref<128x16xf32, #tpu.memory_space<hbm>>
      %dma_start3A_276 = arith.constant 0 : i32
      %dma_start3A_277 = tpu.memref_slice %arg4[%mul3A_268, %dma_start3A_276] : memref<512000x16xf32, #tpu.memory_space<hbm>> -> memref<128x16xf32, #tpu.memory_space<hbm>>
      %dma_start3A_278 = arith.constant 0 : i32
      %dma_start3A_279 = arith.constant 0 : i32
      %dma_start3A_280 = tpu.memref_slice %arg6[%dma_start3A_269, %dma_start3A_278, %dma_start3A_279] : memref<5x128x16xf32, #tpu.memory_space<vmem>> -> memref<1x128x16xf32, #tpu.memory_space<vmem>>
      %dma_start3A_281 = tpu.memref_squeeze %dma_start3A_280 : memref<1x128x16xf32, #tpu.memory_space<vmem>> -> memref<128x16xf32, #tpu.memory_space<vmem>>
      tpu.enqueue_dma source(%dma_start3A_281 : memref<128x16xf32, #tpu.memory_space<vmem>>) target(%dma_start3A_277 : memref<128x16xf32, #tpu.memory_space<hbm>>) target_semaphore(%arg8 : memref<!tpu.dma_semaphore, #tpu.memory_space<semaphore_mem>>)
      %dma_wait3A_282 = arith.constant 4 : i32
      %dma_wait3A_283 = arith.constant 0 : i32
      %dma_wait3A_284 = arith.constant 0 : i32
      %dma_wait3A_285 = tpu.memref_slice %arg6[%dma_wait3A_282, %dma_wait3A_283, %dma_wait3A_284] : memref<5x128x16xf32, #tpu.memory_space<vmem>> -> memref<1x128x16xf32, #tpu.memory_space<vmem>>
      %dma_wait3A_286 = tpu.memref_squeeze %dma_wait3A_285 : memref<1x128x16xf32, #tpu.memory_space<vmem>> -> memref<128x16xf32, #tpu.memory_space<vmem>>
      %dma_wait3A_287 = arith.constant 0 : i32
      %dma_wait3A_288 = tpu.memref_slice %arg5[%add3A_146, %dma_wait3A_287] : memref<125x128xi32, #tpu.memory_space<vmem>> -> memref<1x128xi32, #tpu.memory_space<vmem>>
      %dma_wait3A_289 = tpu.memref_squeeze %dma_wait3A_288 : memref<1x128xi32, #tpu.memory_space<vmem>> -> memref<128xi32, #tpu.memory_space<vmem>>
      %dma_wait3A_290 = arith.constant 0 : i32
      %dma_wait3A_291 = arith.constant 0 : i32
      %dma_wait3A_292 = tpu.memref_slice %arg2[%dma_wait3A_290, %dma_wait3A_291] : memref<16000x16xf32, #tpu.memory_space<hbm>> -> memref<16000x16xf32, #tpu.memory_space<hbm>>
      tpu.wait_indirect_dma semaphore(%arg7 : memref<!tpu.dma_semaphore, #tpu.memory_space<semaphore_mem>>) src(%dma_wait3A_292 : memref<16000x16xf32, #tpu.memory_space<hbm>>) dst(%dma_wait3A_286 : memref<128x16xf32, #tpu.memory_space<vmem>>)
      %mul3A_293 = arith.constant 5 : i32
      %mul3A_294 = arith.muli %scan3A_81, %mul3A_293 : i32
      %add3A_295 = arith.addi %mul3A_2, %mul3A_294 : i32
      %add3A_296 = arith.constant 4 : i32
      %add3A_297 = arith.addi %add3A_295, %add3A_296 : i32
      %mul3A_298 = arith.constant 128 : i32
      %mul3A_299 = arith.muli %add3A_297, %mul3A_298 : i32
      %dma_start3A_300 = arith.constant 4 : i32
      %dma_start3A_301 = arith.constant 0 : i32
      %dma_start3A_302 = arith.constant 0 : i32
      %dma_start3A_303 = tpu.memref_slice %arg6[%dma_start3A_300, %dma_start3A_301, %dma_start3A_302] : memref<5x128x16xf32, #tpu.memory_space<vmem>> -> memref<1x128x16xf32, #tpu.memory_space<vmem>>
      %dma_start3A_304 = tpu.memref_squeeze %dma_start3A_303 : memref<1x128x16xf32, #tpu.memory_space<vmem>> -> memref<128x16xf32, #tpu.memory_space<vmem>>
      %dma_start3A_305 = arith.constant 0 : i32
      %dma_start3A_306 = tpu.memref_slice %arg4[%mul3A_299, %dma_start3A_305] : memref<512000x16xf32, #tpu.memory_space<hbm>> -> memref<128x16xf32, #tpu.memory_space<hbm>>
      %dma_start3A_307 = arith.constant 0 : i32
      %dma_start3A_308 = tpu.memref_slice %arg4[%mul3A_299, %dma_start3A_307] : memref<512000x16xf32, #tpu.memory_space<hbm>> -> memref<128x16xf32, #tpu.memory_space<hbm>>
      %dma_start3A_309 = arith.constant 0 : i32
      %dma_start3A_310 = arith.constant 0 : i32
      %dma_start3A_311 = tpu.memref_slice %arg6[%dma_start3A_300, %dma_start3A_309, %dma_start3A_310] : memref<5x128x16xf32, #tpu.memory_space<vmem>> -> memref<1x128x16xf32, #tpu.memory_space<vmem>>
      %dma_start3A_312 = tpu.memref_squeeze %dma_start3A_311 : memref<1x128x16xf32, #tpu.memory_space<vmem>> -> memref<128x16xf32, #tpu.memory_space<vmem>>
      tpu.enqueue_dma source(%dma_start3A_312 : memref<128x16xf32, #tpu.memory_space<vmem>>) target(%dma_start3A_308 : memref<128x16xf32, #tpu.memory_space<hbm>>) target_semaphore(%arg8 : memref<!tpu.dma_semaphore, #tpu.memory_space<semaphore_mem>>)
    }
    %scan3A_6 = arith.constant 25 : i32
    %mul3A_7 = arith.constant 128 : i32
    %mul3A_8 = arith.muli %mul3A_2, %mul3A_7 : i32
    %dma_wait3A = arith.constant 0 : i32
    %dma_wait3A_9 = arith.constant 0 : i32
    %dma_wait3A_10 = arith.constant 0 : i32
    %dma_wait3A_11 = tpu.memref_slice %arg6[%dma_wait3A, %dma_wait3A_9, %dma_wait3A_10] : memref<5x128x16xf32, #tpu.memory_space<vmem>> -> memref<1x128x16xf32, #tpu.memory_space<vmem>>
    %dma_wait3A_12 = tpu.memref_squeeze %dma_wait3A_11 : memref<1x128x16xf32, #tpu.memory_space<vmem>> -> memref<128x16xf32, #tpu.memory_space<vmem>>
    %dma_wait3A_13 = arith.constant 0 : i32
    %dma_wait3A_14 = tpu.memref_slice %arg4[%mul3A_8, %dma_wait3A_13] : memref<512000x16xf32, #tpu.memory_space<hbm>> -> memref<128x16xf32, #tpu.memory_space<hbm>>
    %dma_wait3A_15 = arith.constant 0 : i32
    %dma_wait3A_16 = tpu.memref_slice %arg4[%mul3A_8, %dma_wait3A_15] : memref<512000x16xf32, #tpu.memory_space<hbm>> -> memref<128x16xf32, #tpu.memory_space<hbm>>
    %dma_wait3A_17 = arith.constant 0 : i32
    %dma_wait3A_18 = arith.constant 0 : i32
    %dma_wait3A_19 = tpu.memref_slice %arg6[%dma_wait3A, %dma_wait3A_17, %dma_wait3A_18] : memref<5x128x16xf32, #tpu.memory_space<vmem>> -> memref<1x128x16xf32, #tpu.memory_space<vmem>>
    %dma_wait3A_20 = tpu.memref_squeeze %dma_wait3A_19 : memref<1x128x16xf32, #tpu.memory_space<vmem>> -> memref<128x16xf32, #tpu.memory_space<vmem>>
    tpu.wait_dma2 semaphore(%arg8 : memref<!tpu.dma_semaphore, #tpu.memory_space<semaphore_mem>>) src(%dma_wait3A_20 : memref<128x16xf32, #tpu.memory_space<vmem>>) dst(%dma_wait3A_16 : memref<128x16xf32, #tpu.memory_space<hbm>>)
    %mul3A_21 = arith.constant 128 : i32
    %mul3A_22 = arith.muli %mul3A_2, %mul3A_21 : i32
    %dma_wait3A_23 = arith.constant 1 : i32
    %dma_wait3A_24 = arith.constant 0 : i32
    %dma_wait3A_25 = arith.constant 0 : i32
    %dma_wait3A_26 = tpu.memref_slice %arg6[%dma_wait3A_23, %dma_wait3A_24, %dma_wait3A_25] : memref<5x128x16xf32, #tpu.memory_space<vmem>> -> memref<1x128x16xf32, #tpu.memory_space<vmem>>
    %dma_wait3A_27 = tpu.memref_squeeze %dma_wait3A_26 : memref<1x128x16xf32, #tpu.memory_space<vmem>> -> memref<128x16xf32, #tpu.memory_space<vmem>>
    %dma_wait3A_28 = arith.constant 0 : i32
    %dma_wait3A_29 = tpu.memref_slice %arg4[%mul3A_22, %dma_wait3A_28] : memref<512000x16xf32, #tpu.memory_space<hbm>> -> memref<128x16xf32, #tpu.memory_space<hbm>>
    %dma_wait3A_30 = arith.constant 0 : i32
    %dma_wait3A_31 = tpu.memref_slice %arg4[%mul3A_22, %dma_wait3A_30] : memref<512000x16xf32, #tpu.memory_space<hbm>> -> memref<128x16xf32, #tpu.memory_space<hbm>>
    %dma_wait3A_32 = arith.constant 0 : i32
    %dma_wait3A_33 = arith.constant 0 : i32
    %dma_wait3A_34 = tpu.memref_slice %arg6[%dma_wait3A_23, %dma_wait3A_32, %dma_wait3A_33] : memref<5x128x16xf32, #tpu.memory_space<vmem>> -> memref<1x128x16xf32, #tpu.memory_space<vmem>>
    %dma_wait3A_35 = tpu.memref_squeeze %dma_wait3A_34 : memref<1x128x16xf32, #tpu.memory_space<vmem>> -> memref<128x16xf32, #tpu.memory_space<vmem>>
    tpu.wait_dma2 semaphore(%arg8 : memref<!tpu.dma_semaphore, #tpu.memory_space<semaphore_mem>>) src(%dma_wait3A_35 : memref<128x16xf32, #tpu.memory_space<vmem>>) dst(%dma_wait3A_31 : memref<128x16xf32, #tpu.memory_space<hbm>>)
    %mul3A_36 = arith.constant 128 : i32
    %mul3A_37 = arith.muli %mul3A_2, %mul3A_36 : i32
    %dma_wait3A_38 = arith.constant 2 : i32
    %dma_wait3A_39 = arith.constant 0 : i32
    %dma_wait3A_40 = arith.constant 0 : i32
    %dma_wait3A_41 = tpu.memref_slice %arg6[%dma_wait3A_38, %dma_wait3A_39, %dma_wait3A_40] : memref<5x128x16xf32, #tpu.memory_space<vmem>> -> memref<1x128x16xf32, #tpu.memory_space<vmem>>
    %dma_wait3A_42 = tpu.memref_squeeze %dma_wait3A_41 : memref<1x128x16xf32, #tpu.memory_space<vmem>> -> memref<128x16xf32, #tpu.memory_space<vmem>>
    %dma_wait3A_43 = arith.constant 0 : i32
    %dma_wait3A_44 = tpu.memref_slice %arg4[%mul3A_37, %dma_wait3A_43] : memref<512000x16xf32, #tpu.memory_space<hbm>> -> memref<128x16xf32, #tpu.memory_space<hbm>>
    %dma_wait3A_45 = arith.constant 0 : i32
    %dma_wait3A_46 = tpu.memref_slice %arg4[%mul3A_37, %dma_wait3A_45] : memref<512000x16xf32, #tpu.memory_space<hbm>> -> memref<128x16xf32, #tpu.memory_space<hbm>>
    %dma_wait3A_47 = arith.constant 0 : i32
    %dma_wait3A_48 = arith.constant 0 : i32
    %dma_wait3A_49 = tpu.memref_slice %arg6[%dma_wait3A_38, %dma_wait3A_47, %dma_wait3A_48] : memref<5x128x16xf32, #tpu.memory_space<vmem>> -> memref<1x128x16xf32, #tpu.memory_space<vmem>>
    %dma_wait3A_50 = tpu.memref_squeeze %dma_wait3A_49 : memref<1x128x16xf32, #tpu.memory_space<vmem>> -> memref<128x16xf32, #tpu.memory_space<vmem>>
    tpu.wait_dma2 semaphore(%arg8 : memref<!tpu.dma_semaphore, #tpu.memory_space<semaphore_mem>>) src(%dma_wait3A_50 : memref<128x16xf32, #tpu.memory_space<vmem>>) dst(%dma_wait3A_46 : memref<128x16xf32, #tpu.memory_space<hbm>>)
    %mul3A_51 = arith.constant 128 : i32
    %mul3A_52 = arith.muli %mul3A_2, %mul3A_51 : i32
    %dma_wait3A_53 = arith.constant 3 : i32
    %dma_wait3A_54 = arith.constant 0 : i32
    %dma_wait3A_55 = arith.constant 0 : i32
    %dma_wait3A_56 = tpu.memref_slice %arg6[%dma_wait3A_53, %dma_wait3A_54, %dma_wait3A_55] : memref<5x128x16xf32, #tpu.memory_space<vmem>> -> memref<1x128x16xf32, #tpu.memory_space<vmem>>
    %dma_wait3A_57 = tpu.memref_squeeze %dma_wait3A_56 : memref<1x128x16xf32, #tpu.memory_space<vmem>> -> memref<128x16xf32, #tpu.memory_space<vmem>>
    %dma_wait3A_58 = arith.constant 0 : i32
    %dma_wait3A_59 = tpu.memref_slice %arg4[%mul3A_52, %dma_wait3A_58] : memref<512000x16xf32, #tpu.memory_space<hbm>> -> memref<128x16xf32, #tpu.memory_space<hbm>>
    %dma_wait3A_60 = arith.constant 0 : i32
    %dma_wait3A_61 = tpu.memref_slice %arg4[%mul3A_52, %dma_wait3A_60] : memref<512000x16xf32, #tpu.memory_space<hbm>> -> memref<128x16xf32, #tpu.memory_space<hbm>>
    %dma_wait3A_62 = arith.constant 0 : i32
    %dma_wait3A_63 = arith.constant 0 : i32
    %dma_wait3A_64 = tpu.memref_slice %arg6[%dma_wait3A_53, %dma_wait3A_62, %dma_wait3A_63] : memref<5x128x16xf32, #tpu.memory_space<vmem>> -> memref<1x128x16xf32, #tpu.memory_space<vmem>>
    %dma_wait3A_65 = tpu.memref_squeeze %dma_wait3A_64 : memref<1x128x16xf32, #tpu.memory_space<vmem>> -> memref<128x16xf32, #tpu.memory_space<vmem>>
    tpu.wait_dma2 semaphore(%arg8 : memref<!tpu.dma_semaphore, #tpu.memory_space<semaphore_mem>>) src(%dma_wait3A_65 : memref<128x16xf32, #tpu.memory_space<vmem>>) dst(%dma_wait3A_61 : memref<128x16xf32, #tpu.memory_space<hbm>>)
    %mul3A_66 = arith.constant 128 : i32
    %mul3A_67 = arith.muli %mul3A_2, %mul3A_66 : i32
    %dma_wait3A_68 = arith.constant 4 : i32
    %dma_wait3A_69 = arith.constant 0 : i32
    %dma_wait3A_70 = arith.constant 0 : i32
    %dma_wait3A_71 = tpu.memref_slice %arg6[%dma_wait3A_68, %dma_wait3A_69, %dma_wait3A_70] : memref<5x128x16xf32, #tpu.memory_space<vmem>> -> memref<1x128x16xf32, #tpu.memory_space<vmem>>
    %dma_wait3A_72 = tpu.memref_squeeze %dma_wait3A_71 : memref<1x128x16xf32, #tpu.memory_space<vmem>> -> memref<128x16xf32, #tpu.memory_space<vmem>>
    %dma_wait3A_73 = arith.constant 0 : i32
    %dma_wait3A_74 = tpu.memref_slice %arg4[%mul3A_67, %dma_wait3A_73] : memref<512000x16xf32, #tpu.memory_space<hbm>> -> memref<128x16xf32, #tpu.memory_space<hbm>>
    %dma_wait3A_75 = arith.constant 0 : i32
    %dma_wait3A_76 = tpu.memref_slice %arg4[%mul3A_67, %dma_wait3A_75] : memref<512000x16xf32, #tpu.memory_space<hbm>> -> memref<128x16xf32, #tpu.memory_space<hbm>>
    %dma_wait3A_77 = arith.constant 0 : i32
    %dma_wait3A_78 = arith.constant 0 : i32
    %dma_wait3A_79 = tpu.memref_slice %arg6[%dma_wait3A_68, %dma_wait3A_77, %dma_wait3A_78] : memref<5x128x16xf32, #tpu.memory_space<vmem>> -> memref<1x128x16xf32, #tpu.memory_space<vmem>>
    %dma_wait3A_80 = tpu.memref_squeeze %dma_wait3A_79 : memref<1x128x16xf32, #tpu.memory_space<vmem>> -> memref<128x16xf32, #tpu.memory_space<vmem>>
    tpu.wait_dma2 semaphore(%arg8 : memref<!tpu.dma_semaphore, #tpu.memory_space<semaphore_mem>>) src(%dma_wait3A_80 : memref<128x16xf32, #tpu.memory_space<vmem>>) dst(%dma_wait3A_76 : memref<128x16xf32, #tpu.memory_space<hbm>>)
    return
  }
}

#map = affine_map<(d0, d1) -> (0, 0)>
#map1 = affine_map<(d0, d1) -> (0, 0, 0)>
module attributes {stable_mosaic.version = 14 : i64} {
  func.func @k(%arg0: i32, %arg1: i32, %arg2: memref<1000x16xf32, #tpu.memory_space<hbm>>, %arg3: memref<32x125x128xi32, #tpu.memory_space<hbm>>, %arg4: memref<512000x16xf32, #tpu.memory_space<hbm>>, %arg5: memref<125x128xi32, #tpu.memory_space<vmem>>, %arg6: memref<5x128x16xf32, #tpu.memory_space<vmem>>, %arg7: memref<!tpu.dma_semaphore, #tpu.memory_space<semaphore_mem>>, %arg8: memref<!tpu.dma_semaphore, #tpu.memory_space<semaphore_mem>>) attributes {dimension_semantics = [#tpu.dimension_semantics<core_parallel>, #tpu.dimension_semantics<subcore_parallel>], iteration_bounds = array<i64: 2, 16>, scalar_prefetch = 0 : i64, scratch_operands = 4 : i64, tpu.core_type = #tpu.core_type<sc_vector_subcore>, window_params = [{transform_indices = #map}, {transform_indices = #map1}, {transform_indices = #map}]} {
    %mul3A = arith.constant 2 : i32
    %mul3A_0 = arith.muli %arg1, %mul3A : i32
    %add3A = arith.addi %mul3A_0, %arg0 : i32
    %mul3A_1 = arith.constant 125 : i32
    %mul3A_2 = arith.muli %add3A, %mul3A_1 : i32
    "tpu.region"() ({
      %run_scoped3A = tpu.sem_alloc : memref<!tpu.dma_semaphore, #tpu.memory_space<semaphore_mem>>
      %dma_start3A = arith.constant 0 : i32
      %dma_start3A_81 = arith.constant 0 : i32
      %dma_start3A_82 = tpu.memref_slice %arg3[%add3A, %dma_start3A, %dma_start3A_81] : memref<32x125x128xi32, #tpu.memory_space<hbm>> -> memref<1x125x128xi32, #tpu.memory_space<hbm>>
      %dma_start3A_83 = tpu.memref_squeeze %dma_start3A_82 : memref<1x125x128xi32, #tpu.memory_space<hbm>> -> memref<125x128xi32, #tpu.memory_space<hbm>>
      %dma_start3A_84 = arith.constant 0 : i32
      %dma_start3A_85 = arith.constant 0 : i32
      %dma_start3A_86 = tpu.memref_slice %arg3[%add3A, %dma_start3A_84, %dma_start3A_85] : memref<32x125x128xi32, #tpu.memory_space<hbm>> -> memref<1x125x128xi32, #tpu.memory_space<hbm>>
      %dma_start3A_87 = tpu.memref_squeeze %dma_start3A_86 : memref<1x125x128xi32, #tpu.memory_space<hbm>> -> memref<125x128xi32, #tpu.memory_space<hbm>>
      tpu.enqueue_dma source(%dma_start3A_87 : memref<125x128xi32, #tpu.memory_space<hbm>>) target(%arg5 : memref<125x128xi32, #tpu.memory_space<vmem>>) target_semaphore(%run_scoped3A : memref<!tpu.dma_semaphore, #tpu.memory_space<semaphore_mem>>)
      %dma_wait3A_88 = arith.constant 0 : i32
      %dma_wait3A_89 = arith.constant 0 : i32
      %dma_wait3A_90 = tpu.memref_slice %arg3[%add3A, %dma_wait3A_88, %dma_wait3A_89] : memref<32x125x128xi32, #tpu.memory_space<hbm>> -> memref<1x125x128xi32, #tpu.memory_space<hbm>>
      %dma_wait3A_91 = tpu.memref_squeeze %dma_wait3A_90 : memref<1x125x128xi32, #tpu.memory_space<hbm>> -> memref<125x128xi32, #tpu.memory_space<hbm>>
      %dma_wait3A_92 = arith.constant 0 : i32
      %dma_wait3A_93 = arith.constant 0 : i32
      %dma_wait3A_94 = tpu.memref_slice %arg3[%add3A, %dma_wait3A_92, %dma_wait3A_93] : memref<32x125x128xi32, #tpu.memory_space<hbm>> -> memref<1x125x128xi32, #tpu.memory_space<hbm>>
      %dma_wait3A_95 = tpu.memref_squeeze %dma_wait3A_94 : memref<1x125x128xi32, #tpu.memory_space<hbm>> -> memref<125x128xi32, #tpu.memory_space<hbm>>
      tpu.wait_dma2 semaphore(%run_scoped3A : memref<!tpu.dma_semaphore, #tpu.memory_space<semaphore_mem>>) src(%dma_wait3A_95 : memref<125x128xi32, #tpu.memory_space<hbm>>) dst(%arg5 : memref<125x128xi32, #tpu.memory_space<vmem>>)
      tpu.yield
    }) : () -> ()
    %scan3A = arith.constant 0 : i32
    %scan3A_3 = arith.constant 25 : i32
    %scan3A_4 = arith.addi %scan3A, %scan3A_3 : i32
    %scan3A_5 = arith.constant 1 : i32
    scf.for %scan3A_81 = %scan3A to %scan3A_4 step %scan3A_5  : i32 {
      %gt3A = arith.constant 0 : i32
      %gt3A_82 = arith.cmpi sgt, %scan3A_81, %gt3A : i32
      %convert_element_type3A = arith.extui %gt3A_82 : i1 to i32
      %cond3A = arith.constant 0 : i32
      %cond3A_83 = arith.cmpi ne, %convert_element_type3A, %cond3A : i32
      scf.if %cond3A_83 {
        %mul3A_313 = arith.constant 128 : i32
        %mul3A_314 = arith.muli %mul3A_2, %mul3A_313 : i32
        %dma_wait3A_315 = arith.constant 0 : i32
        %dma_wait3A_316 = arith.constant 0 : i32
        %dma_wait3A_317 = arith.constant 0 : i32
        %dma_wait3A_318 = tpu.memref_slice %arg6[%dma_wait3A_315, %dma_wait3A_316, %dma_wait3A_317] : memref<5x128x16xf32, #tpu.memory_space<vmem>> -> memref<1x128x16xf32, #tpu.memory_space<vmem>>
        %dma_wait3A_319 = tpu.memref_squeeze %dma_wait3A_318 : memref<1x128x16xf32, #tpu.memory_space<vmem>> -> memref<128x16xf32, #tpu.memory_space<vmem>>
        %dma_wait3A_320 = arith.constant 0 : i32
        %dma_wait3A_321 = tpu.memref_slice %arg4[%mul3A_314, %dma_wait3A_320] : memref<512000x16xf32, #tpu.memory_space<hbm>> -> memref<128x16xf32, #tpu.memory_space<hbm>>
        %dma_wait3A_322 = arith.constant 0 : i32
        %dma_wait3A_323 = tpu.memref_slice %arg4[%mul3A_314, %dma_wait3A_322] : memref<512000x16xf32, #tpu.memory_space<hbm>> -> memref<128x16xf32, #tpu.memory_space<hbm>>
        %dma_wait3A_324 = arith.constant 0 : i32
        %dma_wait3A_325 = arith.constant 0 : i32
        %dma_wait3A_326 = tpu.memref_slice %arg6[%dma_wait3A_315, %dma_wait3A_324, %dma_wait3A_325] : memref<5x128x16xf32, #tpu.memory_space<vmem>> -> memref<1x128x16xf32, #tpu.memory_space<vmem>>
        %dma_wait3A_327 = tpu.memref_squeeze %dma_wait3A_326 : memref<1x128x16xf32, #tpu.memory_space<vmem>> -> memref<128x16xf32, #tpu.memory_space<vmem>>
        tpu.wait_dma2 semaphore(%arg8 : memref<!tpu.dma_semaphore, #tpu.memory_space<semaphore_mem>>) src(%dma_wait3A_327 : memref<128x16xf32, #tpu.memory_space<vmem>>) dst(%dma_wait3A_323 : memref<128x16xf32, #tpu.memory_space<hbm>>)
        %mul3A_328 = arith.constant 128 : i32
        %mul3A_329 = arith.muli %mul3A_2, %mul3A_328 : i32
        %dma_wait3A_330 = arith.constant 1 : i32
        %dma_wait3A_331 = arith.constant 0 : i32
        %dma_wait3A_332 = arith.constant 0 : i32
        %dma_wait3A_333 = tpu.memref_slice %arg6[%dma_wait3A_330, %dma_wait3A_331, %dma_wait3A_332] : memref<5x128x16xf32, #tpu.memory_space<vmem>> -> memref<1x128x16xf32, #tpu.memory_space<vmem>>
        %dma_wait3A_334 = tpu.memref_squeeze %dma_wait3A_333 : memref<1x128x16xf32, #tpu.memory_space<vmem>> -> memref<128x16xf32, #tpu.memory_space<vmem>>
        %dma_wait3A_335 = arith.constant 0 : i32
        %dma_wait3A_336 = tpu.memref_slice %arg4[%mul3A_329, %dma_wait3A_335] : memref<512000x16xf32, #tpu.memory_space<hbm>> -> memref<128x16xf32, #tpu.memory_space<hbm>>
        %dma_wait3A_337 = arith.constant 0 : i32
        %dma_wait3A_338 = tpu.memref_slice %arg4[%mul3A_329, %dma_wait3A_337] : memref<512000x16xf32, #tpu.memory_space<hbm>> -> memref<128x16xf32, #tpu.memory_space<hbm>>
        %dma_wait3A_339 = arith.constant 0 : i32
        %dma_wait3A_340 = arith.constant 0 : i32
        %dma_wait3A_341 = tpu.memref_slice %arg6[%dma_wait3A_330, %dma_wait3A_339, %dma_wait3A_340] : memref<5x128x16xf32, #tpu.memory_space<vmem>> -> memref<1x128x16xf32, #tpu.memory_space<vmem>>
        %dma_wait3A_342 = tpu.memref_squeeze %dma_wait3A_341 : memref<1x128x16xf32, #tpu.memory_space<vmem>> -> memref<128x16xf32, #tpu.memory_space<vmem>>
        tpu.wait_dma2 semaphore(%arg8 : memref<!tpu.dma_semaphore, #tpu.memory_space<semaphore_mem>>) src(%dma_wait3A_342 : memref<128x16xf32, #tpu.memory_space<vmem>>) dst(%dma_wait3A_338 : memref<128x16xf32, #tpu.memory_space<hbm>>)
        %mul3A_343 = arith.constant 128 : i32
        %mul3A_344 = arith.muli %mul3A_2, %mul3A_343 : i32
        %dma_wait3A_345 = arith.constant 2 : i32
        %dma_wait3A_346 = arith.constant 0 : i32
        %dma_wait3A_347 = arith.constant 0 : i32
        %dma_wait3A_348 = tpu.memref_slice %arg6[%dma_wait3A_345, %dma_wait3A_346, %dma_wait3A_347] : memref<5x128x16xf32, #tpu.memory_space<vmem>> -> memref<1x128x16xf32, #tpu.memory_space<vmem>>
        %dma_wait3A_349 = tpu.memref_squeeze %dma_wait3A_348 : memref<1x128x16xf32, #tpu.memory_space<vmem>> -> memref<128x16xf32, #tpu.memory_space<vmem>>
        %dma_wait3A_350 = arith.constant 0 : i32
        %dma_wait3A_351 = tpu.memref_slice %arg4[%mul3A_344, %dma_wait3A_350] : memref<512000x16xf32, #tpu.memory_space<hbm>> -> memref<128x16xf32, #tpu.memory_space<hbm>>
        %dma_wait3A_352 = arith.constant 0 : i32
        %dma_wait3A_353 = tpu.memref_slice %arg4[%mul3A_344, %dma_wait3A_352] : memref<512000x16xf32, #tpu.memory_space<hbm>> -> memref<128x16xf32, #tpu.memory_space<hbm>>
        %dma_wait3A_354 = arith.constant 0 : i32
        %dma_wait3A_355 = arith.constant 0 : i32
        %dma_wait3A_356 = tpu.memref_slice %arg6[%dma_wait3A_345, %dma_wait3A_354, %dma_wait3A_355] : memref<5x128x16xf32, #tpu.memory_space<vmem>> -> memref<1x128x16xf32, #tpu.memory_space<vmem>>
        %dma_wait3A_357 = tpu.memref_squeeze %dma_wait3A_356 : memref<1x128x16xf32, #tpu.memory_space<vmem>> -> memref<128x16xf32, #tpu.memory_space<vmem>>
        tpu.wait_dma2 semaphore(%arg8 : memref<!tpu.dma_semaphore, #tpu.memory_space<semaphore_mem>>) src(%dma_wait3A_357 : memref<128x16xf32, #tpu.memory_space<vmem>>) dst(%dma_wait3A_353 : memref<128x16xf32, #tpu.memory_space<hbm>>)
        %mul3A_358 = arith.constant 128 : i32
        %mul3A_359 = arith.muli %mul3A_2, %mul3A_358 : i32
        %dma_wait3A_360 = arith.constant 3 : i32
        %dma_wait3A_361 = arith.constant 0 : i32
        %dma_wait3A_362 = arith.constant 0 : i32
        %dma_wait3A_363 = tpu.memref_slice %arg6[%dma_wait3A_360, %dma_wait3A_361, %dma_wait3A_362] : memref<5x128x16xf32, #tpu.memory_space<vmem>> -> memref<1x128x16xf32, #tpu.memory_space<vmem>>
        %dma_wait3A_364 = tpu.memref_squeeze %dma_wait3A_363 : memref<1x128x16xf32, #tpu.memory_space<vmem>> -> memref<128x16xf32, #tpu.memory_space<vmem>>
        %dma_wait3A_365 = arith.constant 0 : i32
        %dma_wait3A_366 = tpu.memref_slice %arg4[%mul3A_359, %dma_wait3A_365] : memref<512000x16xf32, #tpu.memory_space<hbm>> -> memref<128x16xf32, #tpu.memory_space<hbm>>
        %dma_wait3A_367 = arith.constant 0 : i32
        %dma_wait3A_368 = tpu.memref_slice %arg4[%mul3A_359, %dma_wait3A_367] : memref<512000x16xf32, #tpu.memory_space<hbm>> -> memref<128x16xf32, #tpu.memory_space<hbm>>
        %dma_wait3A_369 = arith.constant 0 : i32
        %dma_wait3A_370 = arith.constant 0 : i32
        %dma_wait3A_371 = tpu.memref_slice %arg6[%dma_wait3A_360, %dma_wait3A_369, %dma_wait3A_370] : memref<5x128x16xf32, #tpu.memory_space<vmem>> -> memref<1x128x16xf32, #tpu.memory_space<vmem>>
        %dma_wait3A_372 = tpu.memref_squeeze %dma_wait3A_371 : memref<1x128x16xf32, #tpu.memory_space<vmem>> -> memref<128x16xf32, #tpu.memory_space<vmem>>
        tpu.wait_dma2 semaphore(%arg8 : memref<!tpu.dma_semaphore, #tpu.memory_space<semaphore_mem>>) src(%dma_wait3A_372 : memref<128x16xf32, #tpu.memory_space<vmem>>) dst(%dma_wait3A_368 : memref<128x16xf32, #tpu.memory_space<hbm>>)
        %mul3A_373 = arith.constant 128 : i32
        %mul3A_374 = arith.muli %mul3A_2, %mul3A_373 : i32
        %dma_wait3A_375 = arith.constant 4 : i32
        %dma_wait3A_376 = arith.constant 0 : i32
        %dma_wait3A_377 = arith.constant 0 : i32
        %dma_wait3A_378 = tpu.memref_slice %arg6[%dma_wait3A_375, %dma_wait3A_376, %dma_wait3A_377] : memref<5x128x16xf32, #tpu.memory_space<vmem>> -> memref<1x128x16xf32, #tpu.memory_space<vmem>>
        %dma_wait3A_379 = tpu.memref_squeeze %dma_wait3A_378 : memref<1x128x16xf32, #tpu.memory_space<vmem>> -> memref<128x16xf32, #tpu.memory_space<vmem>>
        %dma_wait3A_380 = arith.constant 0 : i32
        %dma_wait3A_381 = tpu.memref_slice %arg4[%mul3A_374, %dma_wait3A_380] : memref<512000x16xf32, #tpu.memory_space<hbm>> -> memref<128x16xf32, #tpu.memory_space<hbm>>
        %dma_wait3A_382 = arith.constant 0 : i32
        %dma_wait3A_383 = tpu.memref_slice %arg4[%mul3A_374, %dma_wait3A_382] : memref<512000x16xf32, #tpu.memory_space<hbm>> -> memref<128x16xf32, #tpu.memory_space<hbm>>
        %dma_wait3A_384 = arith.constant 0 : i32
        %dma_wait3A_385 = arith.constant 0 : i32
        %dma_wait3A_386 = tpu.memref_slice %arg6[%dma_wait3A_375, %dma_wait3A_384, %dma_wait3A_385] : memref<5x128x16xf32, #tpu.memory_space<vmem>> -> memref<1x128x16xf32, #tpu.memory_space<vmem>>
        %dma_wait3A_387 = tpu.memref_squeeze %dma_wait3A_386 : memref<1x128x16xf32, #tpu.memory_space<vmem>> -> memref<128x16xf32, #tpu.memory_space<vmem>>
        tpu.wait_dma2 semaphore(%arg8 : memref<!tpu.dma_semaphore, #tpu.memory_space<semaphore_mem>>) src(%dma_wait3A_387 : memref<128x16xf32, #tpu.memory_space<vmem>>) dst(%dma_wait3A_383 : memref<128x16xf32, #tpu.memory_space<hbm>>)
      } else {
      }
      %mul3A_84 = arith.constant 5 : i32
      %mul3A_85 = arith.muli %scan3A_81, %mul3A_84 : i32
      %add3A_86 = arith.constant 0 : i32
      %add3A_87 = arith.addi %mul3A_85, %add3A_86 : i32
      %dma_start3A = arith.constant 0 : i32
      %dma_start3A_88 = arith.constant 0 : i32
      %dma_start3A_89 = arith.constant 0 : i32
      %dma_start3A_90 = tpu.memref_slice %arg6[%dma_start3A, %dma_start3A_88, %dma_start3A_89] : memref<5x128x16xf32, #tpu.memory_space<vmem>> -> memref<1x128x16xf32, #tpu.memory_space<vmem>>
      %dma_start3A_91 = tpu.memref_squeeze %dma_start3A_90 : memref<1x128x16xf32, #tpu.memory_space<vmem>> -> memref<128x16xf32, #tpu.memory_space<vmem>>
      %dma_start3A_92 = arith.constant 0 : i32
      %dma_start3A_93 = tpu.memref_slice %arg5[%add3A_87, %dma_start3A_92] : memref<125x128xi32, #tpu.memory_space<vmem>> -> memref<1x128xi32, #tpu.memory_space<vmem>>
      %dma_start3A_94 = tpu.memref_squeeze %dma_start3A_93 : memref<1x128xi32, #tpu.memory_space<vmem>> -> memref<128xi32, #tpu.memory_space<vmem>>
      %dma_start3A_95 = arith.constant 0 : i32
      %dma_start3A_96 = arith.constant 0 : i32
      %dma_start3A_97 = tpu.memref_slice %arg2[%dma_start3A_95, %dma_start3A_96] : memref<1000x16xf32, #tpu.memory_space<hbm>> -> memref<1000x16xf32, #tpu.memory_space<hbm>>
      tpu.enqueue_indirect_dma source(%dma_start3A_97 : memref<1000x16xf32, #tpu.memory_space<hbm>>) target(%dma_start3A_91 : memref<128x16xf32, #tpu.memory_space<vmem>>) offsets(%dma_start3A_94 : memref<128xi32, #tpu.memory_space<vmem>>) semaphore(%arg7 : memref<!tpu.dma_semaphore, #tpu.memory_space<semaphore_mem>>)
      %mul3A_98 = arith.constant 5 : i32
      %mul3A_99 = arith.muli %scan3A_81, %mul3A_98 : i32
      %add3A_100 = arith.constant 1 : i32
      %add3A_101 = arith.addi %mul3A_99, %add3A_100 : i32
      %dma_start3A_102 = arith.constant 1 : i32
      %dma_start3A_103 = arith.constant 0 : i32
      %dma_start3A_104 = arith.constant 0 : i32
      %dma_start3A_105 = tpu.memref_slice %arg6[%dma_start3A_102, %dma_start3A_103, %dma_start3A_104] : memref<5x128x16xf32, #tpu.memory_space<vmem>> -> memref<1x128x16xf32, #tpu.memory_space<vmem>>
      %dma_start3A_106 = tpu.memref_squeeze %dma_start3A_105 : memref<1x128x16xf32, #tpu.memory_space<vmem>> -> memref<128x16xf32, #tpu.memory_space<vmem>>
      %dma_start3A_107 = arith.constant 0 : i32
      %dma_start3A_108 = tpu.memref_slice %arg5[%add3A_101, %dma_start3A_107] : memref<125x128xi32, #tpu.memory_space<vmem>> -> memref<1x128xi32, #tpu.memory_space<vmem>>
      %dma_start3A_109 = tpu.memref_squeeze %dma_start3A_108 : memref<1x128xi32, #tpu.memory_space<vmem>> -> memref<128xi32, #tpu.memory_space<vmem>>
      %dma_start3A_110 = arith.constant 0 : i32
      %dma_start3A_111 = arith.constant 0 : i32
      %dma_start3A_112 = tpu.memref_slice %arg2[%dma_start3A_110, %dma_start3A_111] : memref<1000x16xf32, #tpu.memory_space<hbm>> -> memref<1000x16xf32, #tpu.memory_space<hbm>>
      tpu.enqueue_indirect_dma source(%dma_start3A_112 : memref<1000x16xf32, #tpu.memory_space<hbm>>) target(%dma_start3A_106 : memref<128x16xf32, #tpu.memory_space<vmem>>) offsets(%dma_start3A_109 : memref<128xi32, #tpu.memory_space<vmem>>) semaphore(%arg7 : memref<!tpu.dma_semaphore, #tpu.memory_space<semaphore_mem>>)
      %mul3A_113 = arith.constant 5 : i32
      %mul3A_114 = arith.muli %scan3A_81, %mul3A_113 : i32
      %add3A_115 = arith.constant 2 : i32
      %add3A_116 = arith.addi %mul3A_114, %add3A_115 : i32
      %dma_start3A_117 = arith.constant 2 : i32
      %dma_start3A_118 = arith.constant 0 : i32
      %dma_start3A_119 = arith.constant 0 : i32
      %dma_start3A_120 = tpu.memref_slice %arg6[%dma_start3A_117, %dma_start3A_118, %dma_start3A_119] : memref<5x128x16xf32, #tpu.memory_space<vmem>> -> memref<1x128x16xf32, #tpu.memory_space<vmem>>
      %dma_start3A_121 = tpu.memref_squeeze %dma_start3A_120 : memref<1x128x16xf32, #tpu.memory_space<vmem>> -> memref<128x16xf32, #tpu.memory_space<vmem>>
      %dma_start3A_122 = arith.constant 0 : i32
      %dma_start3A_123 = tpu.memref_slice %arg5[%add3A_116, %dma_start3A_122] : memref<125x128xi32, #tpu.memory_space<vmem>> -> memref<1x128xi32, #tpu.memory_space<vmem>>
      %dma_start3A_124 = tpu.memref_squeeze %dma_start3A_123 : memref<1x128xi32, #tpu.memory_space<vmem>> -> memref<128xi32, #tpu.memory_space<vmem>>
      %dma_start3A_125 = arith.constant 0 : i32
      %dma_start3A_126 = arith.constant 0 : i32
      %dma_start3A_127 = tpu.memref_slice %arg2[%dma_start3A_125, %dma_start3A_126] : memref<1000x16xf32, #tpu.memory_space<hbm>> -> memref<1000x16xf32, #tpu.memory_space<hbm>>
      tpu.enqueue_indirect_dma source(%dma_start3A_127 : memref<1000x16xf32, #tpu.memory_space<hbm>>) target(%dma_start3A_121 : memref<128x16xf32, #tpu.memory_space<vmem>>) offsets(%dma_start3A_124 : memref<128xi32, #tpu.memory_space<vmem>>) semaphore(%arg7 : memref<!tpu.dma_semaphore, #tpu.memory_space<semaphore_mem>>)
      %mul3A_128 = arith.constant 5 : i32
      %mul3A_129 = arith.muli %scan3A_81, %mul3A_128 : i32
      %add3A_130 = arith.constant 3 : i32
      %add3A_131 = arith.addi %mul3A_129, %add3A_130 : i32
      %dma_start3A_132 = arith.constant 3 : i32
      %dma_start3A_133 = arith.constant 0 : i32
      %dma_start3A_134 = arith.constant 0 : i32
      %dma_start3A_135 = tpu.memref_slice %arg6[%dma_start3A_132, %dma_start3A_133, %dma_start3A_134] : memref<5x128x16xf32, #tpu.memory_space<vmem>> -> memref<1x128x16xf32, #tpu.memory_space<vmem>>
      %dma_start3A_136 = tpu.memref_squeeze %dma_start3A_135 : memref<1x128x16xf32, #tpu.memory_space<vmem>> -> memref<128x16xf32, #tpu.memory_space<vmem>>
      %dma_start3A_137 = arith.constant 0 : i32
      %dma_start3A_138 = tpu.memref_slice %arg5[%add3A_131, %dma_start3A_137] : memref<125x128xi32, #tpu.memory_space<vmem>> -> memref<1x128xi32, #tpu.memory_space<vmem>>
      %dma_start3A_139 = tpu.memref_squeeze %dma_start3A_138 : memref<1x128xi32, #tpu.memory_space<vmem>> -> memref<128xi32, #tpu.memory_space<vmem>>
      %dma_start3A_140 = arith.constant 0 : i32
      %dma_start3A_141 = arith.constant 0 : i32
      %dma_start3A_142 = tpu.memref_slice %arg2[%dma_start3A_140, %dma_start3A_141] : memref<1000x16xf32, #tpu.memory_space<hbm>> -> memref<1000x16xf32, #tpu.memory_space<hbm>>
      tpu.enqueue_indirect_dma source(%dma_start3A_142 : memref<1000x16xf32, #tpu.memory_space<hbm>>) target(%dma_start3A_136 : memref<128x16xf32, #tpu.memory_space<vmem>>) offsets(%dma_start3A_139 : memref<128xi32, #tpu.memory_space<vmem>>) semaphore(%arg7 : memref<!tpu.dma_semaphore, #tpu.memory_space<semaphore_mem>>)
      %mul3A_143 = arith.constant 5 : i32
      %mul3A_144 = arith.muli %scan3A_81, %mul3A_143 : i32
      %add3A_145 = arith.constant 4 : i32
      %add3A_146 = arith.addi %mul3A_144, %add3A_145 : i32
      %dma_start3A_147 = arith.constant 4 : i32
      %dma_start3A_148 = arith.constant 0 : i32
      %dma_start3A_149 = arith.constant 0 : i32
      %dma_start3A_150 = tpu.memref_slice %arg6[%dma_start3A_147, %dma_start3A_148, %dma_start3A_149] : memref<5x128x16xf32, #tpu.memory_space<vmem>> -> memref<1x128x16xf32, #tpu.memory_space<vmem>>
      %dma_start3A_151 = tpu.memref_squeeze %dma_start3A_150 : memref<1x128x16xf32, #tpu.memory_space<vmem>> -> memref<128x16xf32, #tpu.memory_space<vmem>>
      %dma_start3A_152 = arith.constant 0 : i32
      %dma_start3A_153 = tpu.memref_slice %arg5[%add3A_146, %dma_start3A_152] : memref<125x128xi32, #tpu.memory_space<vmem>> -> memref<1x128xi32, #tpu.memory_space<vmem>>
      %dma_start3A_154 = tpu.memref_squeeze %dma_start3A_153 : memref<1x128xi32, #tpu.memory_space<vmem>> -> memref<128xi32, #tpu.memory_space<vmem>>
      %dma_start3A_155 = arith.constant 0 : i32
      %dma_start3A_156 = arith.constant 0 : i32
      %dma_start3A_157 = tpu.memref_slice %arg2[%dma_start3A_155, %dma_start3A_156] : memref<1000x16xf32, #tpu.memory_space<hbm>> -> memref<1000x16xf32, #tpu.memory_space<hbm>>
      tpu.enqueue_indirect_dma source(%dma_start3A_157 : memref<1000x16xf32, #tpu.memory_space<hbm>>) target(%dma_start3A_151 : memref<128x16xf32, #tpu.memory_space<vmem>>) offsets(%dma_start3A_154 : memref<128xi32, #tpu.memory_space<vmem>>) semaphore(%arg7 : memref<!tpu.dma_semaphore, #tpu.memory_space<semaphore_mem>>)
      %dma_wait3A_158 = arith.constant 0 : i32
      %dma_wait3A_159 = arith.constant 0 : i32
      %dma_wait3A_160 = arith.constant 0 : i32
      %dma_wait3A_161 = tpu.memref_slice %arg6[%dma_wait3A_158, %dma_wait3A_159, %dma_wait3A_160] : memref<5x128x16xf32, #tpu.memory_space<vmem>> -> memref<1x128x16xf32, #tpu.memory_space<vmem>>
      %dma_wait3A_162 = tpu.memref_squeeze %dma_wait3A_161 : memref<1x128x16xf32, #tpu.memory_space<vmem>> -> memref<128x16xf32, #tpu.memory_space<vmem>>
      %dma_wait3A_163 = arith.constant 0 : i32
      %dma_wait3A_164 = tpu.memref_slice %arg5[%add3A_87, %dma_wait3A_163] : memref<125x128xi32, #tpu.memory_space<vmem>> -> memref<1x128xi32, #tpu.memory_space<vmem>>
      %dma_wait3A_165 = tpu.memref_squeeze %dma_wait3A_164 : memref<1x128xi32, #tpu.memory_space<vmem>> -> memref<128xi32, #tpu.memory_space<vmem>>
      %dma_wait3A_166 = arith.constant 0 : i32
      %dma_wait3A_167 = arith.constant 0 : i32
      %dma_wait3A_168 = tpu.memref_slice %arg2[%dma_wait3A_166, %dma_wait3A_167] : memref<1000x16xf32, #tpu.memory_space<hbm>> -> memref<1000x16xf32, #tpu.memory_space<hbm>>
      tpu.wait_indirect_dma semaphore(%arg7 : memref<!tpu.dma_semaphore, #tpu.memory_space<semaphore_mem>>) src(%dma_wait3A_168 : memref<1000x16xf32, #tpu.memory_space<hbm>>) dst(%dma_wait3A_162 : memref<128x16xf32, #tpu.memory_space<vmem>>)
      %mul3A_169 = arith.constant 5 : i32
      %mul3A_170 = arith.muli %scan3A_81, %mul3A_169 : i32
      %add3A_171 = arith.addi %mul3A_2, %mul3A_170 : i32
      %add3A_172 = arith.constant 0 : i32
      %add3A_173 = arith.addi %add3A_171, %add3A_172 : i32
      %mul3A_174 = arith.constant 128 : i32
      %mul3A_175 = arith.muli %add3A_173, %mul3A_174 : i32
      %dma_start3A_176 = arith.constant 0 : i32
      %dma_start3A_177 = arith.constant 0 : i32
      %dma_start3A_178 = arith.constant 0 : i32
      %dma_start3A_179 = tpu.memref_slice %arg6[%dma_start3A_176, %dma_start3A_177, %dma_start3A_178] : memref<5x128x16xf32, #tpu.memory_space<vmem>> -> memref<1x128x16xf32, #tpu.memory_space<vmem>>
      %dma_start3A_180 = tpu.memref_squeeze %dma_start3A_179 : memref<1x128x16xf32, #tpu.memory_space<vmem>> -> memref<128x16xf32, #tpu.memory_space<vmem>>
      %dma_start3A_181 = arith.constant 0 : i32
      %dma_start3A_182 = tpu.memref_slice %arg4[%mul3A_175, %dma_start3A_181] : memref<512000x16xf32, #tpu.memory_space<hbm>> -> memref<128x16xf32, #tpu.memory_space<hbm>>
      %dma_start3A_183 = arith.constant 0 : i32
      %dma_start3A_184 = tpu.memref_slice %arg4[%mul3A_175, %dma_start3A_183] : memref<512000x16xf32, #tpu.memory_space<hbm>> -> memref<128x16xf32, #tpu.memory_space<hbm>>
      %dma_start3A_185 = arith.constant 0 : i32
      %dma_start3A_186 = arith.constant 0 : i32
      %dma_start3A_187 = tpu.memref_slice %arg6[%dma_start3A_176, %dma_start3A_185, %dma_start3A_186] : memref<5x128x16xf32, #tpu.memory_space<vmem>> -> memref<1x128x16xf32, #tpu.memory_space<vmem>>
      %dma_start3A_188 = tpu.memref_squeeze %dma_start3A_187 : memref<1x128x16xf32, #tpu.memory_space<vmem>> -> memref<128x16xf32, #tpu.memory_space<vmem>>
      tpu.enqueue_dma source(%dma_start3A_188 : memref<128x16xf32, #tpu.memory_space<vmem>>) target(%dma_start3A_184 : memref<128x16xf32, #tpu.memory_space<hbm>>) target_semaphore(%arg8 : memref<!tpu.dma_semaphore, #tpu.memory_space<semaphore_mem>>)
      %dma_wait3A_189 = arith.constant 1 : i32
      %dma_wait3A_190 = arith.constant 0 : i32
      %dma_wait3A_191 = arith.constant 0 : i32
      %dma_wait3A_192 = tpu.memref_slice %arg6[%dma_wait3A_189, %dma_wait3A_190, %dma_wait3A_191] : memref<5x128x16xf32, #tpu.memory_space<vmem>> -> memref<1x128x16xf32, #tpu.memory_space<vmem>>
      %dma_wait3A_193 = tpu.memref_squeeze %dma_wait3A_192 : memref<1x128x16xf32, #tpu.memory_space<vmem>> -> memref<128x16xf32, #tpu.memory_space<vmem>>
      %dma_wait3A_194 = arith.constant 0 : i32
      %dma_wait3A_195 = tpu.memref_slice %arg5[%add3A_101, %dma_wait3A_194] : memref<125x128xi32, #tpu.memory_space<vmem>> -> memref<1x128xi32, #tpu.memory_space<vmem>>
      %dma_wait3A_196 = tpu.memref_squeeze %dma_wait3A_195 : memref<1x128xi32, #tpu.memory_space<vmem>> -> memref<128xi32, #tpu.memory_space<vmem>>
      %dma_wait3A_197 = arith.constant 0 : i32
      %dma_wait3A_198 = arith.constant 0 : i32
      %dma_wait3A_199 = tpu.memref_slice %arg2[%dma_wait3A_197, %dma_wait3A_198] : memref<1000x16xf32, #tpu.memory_space<hbm>> -> memref<1000x16xf32, #tpu.memory_space<hbm>>
      tpu.wait_indirect_dma semaphore(%arg7 : memref<!tpu.dma_semaphore, #tpu.memory_space<semaphore_mem>>) src(%dma_wait3A_199 : memref<1000x16xf32, #tpu.memory_space<hbm>>) dst(%dma_wait3A_193 : memref<128x16xf32, #tpu.memory_space<vmem>>)
      %mul3A_200 = arith.constant 5 : i32
      %mul3A_201 = arith.muli %scan3A_81, %mul3A_200 : i32
      %add3A_202 = arith.addi %mul3A_2, %mul3A_201 : i32
      %add3A_203 = arith.constant 1 : i32
      %add3A_204 = arith.addi %add3A_202, %add3A_203 : i32
      %mul3A_205 = arith.constant 128 : i32
      %mul3A_206 = arith.muli %add3A_204, %mul3A_205 : i32
      %dma_start3A_207 = arith.constant 1 : i32
      %dma_start3A_208 = arith.constant 0 : i32
      %dma_start3A_209 = arith.constant 0 : i32
      %dma_start3A_210 = tpu.memref_slice %arg6[%dma_start3A_207, %dma_start3A_208, %dma_start3A_209] : memref<5x128x16xf32, #tpu.memory_space<vmem>> -> memref<1x128x16xf32, #tpu.memory_space<vmem>>
      %dma_start3A_211 = tpu.memref_squeeze %dma_start3A_210 : memref<1x128x16xf32, #tpu.memory_space<vmem>> -> memref<128x16xf32, #tpu.memory_space<vmem>>
      %dma_start3A_212 = arith.constant 0 : i32
      %dma_start3A_213 = tpu.memref_slice %arg4[%mul3A_206, %dma_start3A_212] : memref<512000x16xf32, #tpu.memory_space<hbm>> -> memref<128x16xf32, #tpu.memory_space<hbm>>
      %dma_start3A_214 = arith.constant 0 : i32
      %dma_start3A_215 = tpu.memref_slice %arg4[%mul3A_206, %dma_start3A_214] : memref<512000x16xf32, #tpu.memory_space<hbm>> -> memref<128x16xf32, #tpu.memory_space<hbm>>
      %dma_start3A_216 = arith.constant 0 : i32
      %dma_start3A_217 = arith.constant 0 : i32
      %dma_start3A_218 = tpu.memref_slice %arg6[%dma_start3A_207, %dma_start3A_216, %dma_start3A_217] : memref<5x128x16xf32, #tpu.memory_space<vmem>> -> memref<1x128x16xf32, #tpu.memory_space<vmem>>
      %dma_start3A_219 = tpu.memref_squeeze %dma_start3A_218 : memref<1x128x16xf32, #tpu.memory_space<vmem>> -> memref<128x16xf32, #tpu.memory_space<vmem>>
      tpu.enqueue_dma source(%dma_start3A_219 : memref<128x16xf32, #tpu.memory_space<vmem>>) target(%dma_start3A_215 : memref<128x16xf32, #tpu.memory_space<hbm>>) target_semaphore(%arg8 : memref<!tpu.dma_semaphore, #tpu.memory_space<semaphore_mem>>)
      %dma_wait3A_220 = arith.constant 2 : i32
      %dma_wait3A_221 = arith.constant 0 : i32
      %dma_wait3A_222 = arith.constant 0 : i32
      %dma_wait3A_223 = tpu.memref_slice %arg6[%dma_wait3A_220, %dma_wait3A_221, %dma_wait3A_222] : memref<5x128x16xf32, #tpu.memory_space<vmem>> -> memref<1x128x16xf32, #tpu.memory_space<vmem>>
      %dma_wait3A_224 = tpu.memref_squeeze %dma_wait3A_223 : memref<1x128x16xf32, #tpu.memory_space<vmem>> -> memref<128x16xf32, #tpu.memory_space<vmem>>
      %dma_wait3A_225 = arith.constant 0 : i32
      %dma_wait3A_226 = tpu.memref_slice %arg5[%add3A_116, %dma_wait3A_225] : memref<125x128xi32, #tpu.memory_space<vmem>> -> memref<1x128xi32, #tpu.memory_space<vmem>>
      %dma_wait3A_227 = tpu.memref_squeeze %dma_wait3A_226 : memref<1x128xi32, #tpu.memory_space<vmem>> -> memref<128xi32, #tpu.memory_space<vmem>>
      %dma_wait3A_228 = arith.constant 0 : i32
      %dma_wait3A_229 = arith.constant 0 : i32
      %dma_wait3A_230 = tpu.memref_slice %arg2[%dma_wait3A_228, %dma_wait3A_229] : memref<1000x16xf32, #tpu.memory_space<hbm>> -> memref<1000x16xf32, #tpu.memory_space<hbm>>
      tpu.wait_indirect_dma semaphore(%arg7 : memref<!tpu.dma_semaphore, #tpu.memory_space<semaphore_mem>>) src(%dma_wait3A_230 : memref<1000x16xf32, #tpu.memory_space<hbm>>) dst(%dma_wait3A_224 : memref<128x16xf32, #tpu.memory_space<vmem>>)
      %mul3A_231 = arith.constant 5 : i32
      %mul3A_232 = arith.muli %scan3A_81, %mul3A_231 : i32
      %add3A_233 = arith.addi %mul3A_2, %mul3A_232 : i32
      %add3A_234 = arith.constant 2 : i32
      %add3A_235 = arith.addi %add3A_233, %add3A_234 : i32
      %mul3A_236 = arith.constant 128 : i32
      %mul3A_237 = arith.muli %add3A_235, %mul3A_236 : i32
      %dma_start3A_238 = arith.constant 2 : i32
      %dma_start3A_239 = arith.constant 0 : i32
      %dma_start3A_240 = arith.constant 0 : i32
      %dma_start3A_241 = tpu.memref_slice %arg6[%dma_start3A_238, %dma_start3A_239, %dma_start3A_240] : memref<5x128x16xf32, #tpu.memory_space<vmem>> -> memref<1x128x16xf32, #tpu.memory_space<vmem>>
      %dma_start3A_242 = tpu.memref_squeeze %dma_start3A_241 : memref<1x128x16xf32, #tpu.memory_space<vmem>> -> memref<128x16xf32, #tpu.memory_space<vmem>>
      %dma_start3A_243 = arith.constant 0 : i32
      %dma_start3A_244 = tpu.memref_slice %arg4[%mul3A_237, %dma_start3A_243] : memref<512000x16xf32, #tpu.memory_space<hbm>> -> memref<128x16xf32, #tpu.memory_space<hbm>>
      %dma_start3A_245 = arith.constant 0 : i32
      %dma_start3A_246 = tpu.memref_slice %arg4[%mul3A_237, %dma_start3A_245] : memref<512000x16xf32, #tpu.memory_space<hbm>> -> memref<128x16xf32, #tpu.memory_space<hbm>>
      %dma_start3A_247 = arith.constant 0 : i32
      %dma_start3A_248 = arith.constant 0 : i32
      %dma_start3A_249 = tpu.memref_slice %arg6[%dma_start3A_238, %dma_start3A_247, %dma_start3A_248] : memref<5x128x16xf32, #tpu.memory_space<vmem>> -> memref<1x128x16xf32, #tpu.memory_space<vmem>>
      %dma_start3A_250 = tpu.memref_squeeze %dma_start3A_249 : memref<1x128x16xf32, #tpu.memory_space<vmem>> -> memref<128x16xf32, #tpu.memory_space<vmem>>
      tpu.enqueue_dma source(%dma_start3A_250 : memref<128x16xf32, #tpu.memory_space<vmem>>) target(%dma_start3A_246 : memref<128x16xf32, #tpu.memory_space<hbm>>) target_semaphore(%arg8 : memref<!tpu.dma_semaphore, #tpu.memory_space<semaphore_mem>>)
      %dma_wait3A_251 = arith.constant 3 : i32
      %dma_wait3A_252 = arith.constant 0 : i32
      %dma_wait3A_253 = arith.constant 0 : i32
      %dma_wait3A_254 = tpu.memref_slice %arg6[%dma_wait3A_251, %dma_wait3A_252, %dma_wait3A_253] : memref<5x128x16xf32, #tpu.memory_space<vmem>> -> memref<1x128x16xf32, #tpu.memory_space<vmem>>
      %dma_wait3A_255 = tpu.memref_squeeze %dma_wait3A_254 : memref<1x128x16xf32, #tpu.memory_space<vmem>> -> memref<128x16xf32, #tpu.memory_space<vmem>>
      %dma_wait3A_256 = arith.constant 0 : i32
      %dma_wait3A_257 = tpu.memref_slice %arg5[%add3A_131, %dma_wait3A_256] : memref<125x128xi32, #tpu.memory_space<vmem>> -> memref<1x128xi32, #tpu.memory_space<vmem>>
      %dma_wait3A_258 = tpu.memref_squeeze %dma_wait3A_257 : memref<1x128xi32, #tpu.memory_space<vmem>> -> memref<128xi32, #tpu.memory_space<vmem>>
      %dma_wait3A_259 = arith.constant 0 : i32
      %dma_wait3A_260 = arith.constant 0 : i32
      %dma_wait3A_261 = tpu.memref_slice %arg2[%dma_wait3A_259, %dma_wait3A_260] : memref<1000x16xf32, #tpu.memory_space<hbm>> -> memref<1000x16xf32, #tpu.memory_space<hbm>>
      tpu.wait_indirect_dma semaphore(%arg7 : memref<!tpu.dma_semaphore, #tpu.memory_space<semaphore_mem>>) src(%dma_wait3A_261 : memref<1000x16xf32, #tpu.memory_space<hbm>>) dst(%dma_wait3A_255 : memref<128x16xf32, #tpu.memory_space<vmem>>)
      %mul3A_262 = arith.constant 5 : i32
      %mul3A_263 = arith.muli %scan3A_81, %mul3A_262 : i32
      %add3A_264 = arith.addi %mul3A_2, %mul3A_263 : i32
      %add3A_265 = arith.constant 3 : i32
      %add3A_266 = arith.addi %add3A_264, %add3A_265 : i32
      %mul3A_267 = arith.constant 128 : i32
      %mul3A_268 = arith.muli %add3A_266, %mul3A_267 : i32
      %dma_start3A_269 = arith.constant 3 : i32
      %dma_start3A_270 = arith.constant 0 : i32
      %dma_start3A_271 = arith.constant 0 : i32
      %dma_start3A_272 = tpu.memref_slice %arg6[%dma_start3A_269, %dma_start3A_270, %dma_start3A_271] : memref<5x128x16xf32, #tpu.memory_space<vmem>> -> memref<1x128x16xf32, #tpu.memory_space<vmem>>
      %dma_start3A_273 = tpu.memref_squeeze %dma_start3A_272 : memref<1x128x16xf32, #tpu.memory_space<vmem>> -> memref<128x16xf32, #tpu.memory_space<vmem>>
      %dma_start3A_274 = arith.constant 0 : i32
      %dma_start3A_275 = tpu.memref_slice %arg4[%mul3A_268, %dma_start3A_274] : memref<512000x16xf32, #tpu.memory_space<hbm>> -> memref<128x16xf32, #tpu.memory_space<hbm>>
      %dma_start3A_276 = arith.constant 0 : i32
      %dma_start3A_277 = tpu.memref_slice %arg4[%mul3A_268, %dma_start3A_276] : memref<512000x16xf32, #tpu.memory_space<hbm>> -> memref<128x16xf32, #tpu.memory_space<hbm>>
      %dma_start3A_278 = arith.constant 0 : i32
      %dma_start3A_279 = arith.constant 0 : i32
      %dma_start3A_280 = tpu.memref_slice %arg6[%dma_start3A_269, %dma_start3A_278, %dma_start3A_279] : memref<5x128x16xf32, #tpu.memory_space<vmem>> -> memref<1x128x16xf32, #tpu.memory_space<vmem>>
      %dma_start3A_281 = tpu.memref_squeeze %dma_start3A_280 : memref<1x128x16xf32, #tpu.memory_space<vmem>> -> memref<128x16xf32, #tpu.memory_space<vmem>>
      tpu.enqueue_dma source(%dma_start3A_281 : memref<128x16xf32, #tpu.memory_space<vmem>>) target(%dma_start3A_277 : memref<128x16xf32, #tpu.memory_space<hbm>>) target_semaphore(%arg8 : memref<!tpu.dma_semaphore, #tpu.memory_space<semaphore_mem>>)
      %dma_wait3A_282 = arith.constant 4 : i32
      %dma_wait3A_283 = arith.constant 0 : i32
      %dma_wait3A_284 = arith.constant 0 : i32
      %dma_wait3A_285 = tpu.memref_slice %arg6[%dma_wait3A_282, %dma_wait3A_283, %dma_wait3A_284] : memref<5x128x16xf32, #tpu.memory_space<vmem>> -> memref<1x128x16xf32, #tpu.memory_space<vmem>>
      %dma_wait3A_286 = tpu.memref_squeeze %dma_wait3A_285 : memref<1x128x16xf32, #tpu.memory_space<vmem>> -> memref<128x16xf32, #tpu.memory_space<vmem>>
      %dma_wait3A_287 = arith.constant 0 : i32
      %dma_wait3A_288 = tpu.memref_slice %arg5[%add3A_146, %dma_wait3A_287] : memref<125x128xi32, #tpu.memory_space<vmem>> -> memref<1x128xi32, #tpu.memory_space<vmem>>
      %dma_wait3A_289 = tpu.memref_squeeze %dma_wait3A_288 : memref<1x128xi32, #tpu.memory_space<vmem>> -> memref<128xi32, #tpu.memory_space<vmem>>
      %dma_wait3A_290 = arith.constant 0 : i32
      %dma_wait3A_291 = arith.constant 0 : i32
      %dma_wait3A_292 = tpu.memref_slice %arg2[%dma_wait3A_290, %dma_wait3A_291] : memref<1000x16xf32, #tpu.memory_space<hbm>> -> memref<1000x16xf32, #tpu.memory_space<hbm>>
      tpu.wait_indirect_dma semaphore(%arg7 : memref<!tpu.dma_semaphore, #tpu.memory_space<semaphore_mem>>) src(%dma_wait3A_292 : memref<1000x16xf32, #tpu.memory_space<hbm>>) dst(%dma_wait3A_286 : memref<128x16xf32, #tpu.memory_space<vmem>>)
      %mul3A_293 = arith.constant 5 : i32
      %mul3A_294 = arith.muli %scan3A_81, %mul3A_293 : i32
      %add3A_295 = arith.addi %mul3A_2, %mul3A_294 : i32
      %add3A_296 = arith.constant 4 : i32
      %add3A_297 = arith.addi %add3A_295, %add3A_296 : i32
      %mul3A_298 = arith.constant 128 : i32
      %mul3A_299 = arith.muli %add3A_297, %mul3A_298 : i32
      %dma_start3A_300 = arith.constant 4 : i32
      %dma_start3A_301 = arith.constant 0 : i32
      %dma_start3A_302 = arith.constant 0 : i32
      %dma_start3A_303 = tpu.memref_slice %arg6[%dma_start3A_300, %dma_start3A_301, %dma_start3A_302] : memref<5x128x16xf32, #tpu.memory_space<vmem>> -> memref<1x128x16xf32, #tpu.memory_space<vmem>>
      %dma_start3A_304 = tpu.memref_squeeze %dma_start3A_303 : memref<1x128x16xf32, #tpu.memory_space<vmem>> -> memref<128x16xf32, #tpu.memory_space<vmem>>
      %dma_start3A_305 = arith.constant 0 : i32
      %dma_start3A_306 = tpu.memref_slice %arg4[%mul3A_299, %dma_start3A_305] : memref<512000x16xf32, #tpu.memory_space<hbm>> -> memref<128x16xf32, #tpu.memory_space<hbm>>
      %dma_start3A_307 = arith.constant 0 : i32
      %dma_start3A_308 = tpu.memref_slice %arg4[%mul3A_299, %dma_start3A_307] : memref<512000x16xf32, #tpu.memory_space<hbm>> -> memref<128x16xf32, #tpu.memory_space<hbm>>
      %dma_start3A_309 = arith.constant 0 : i32
      %dma_start3A_310 = arith.constant 0 : i32
      %dma_start3A_311 = tpu.memref_slice %arg6[%dma_start3A_300, %dma_start3A_309, %dma_start3A_310] : memref<5x128x16xf32, #tpu.memory_space<vmem>> -> memref<1x128x16xf32, #tpu.memory_space<vmem>>
      %dma_start3A_312 = tpu.memref_squeeze %dma_start3A_311 : memref<1x128x16xf32, #tpu.memory_space<vmem>> -> memref<128x16xf32, #tpu.memory_space<vmem>>
      tpu.enqueue_dma source(%dma_start3A_312 : memref<128x16xf32, #tpu.memory_space<vmem>>) target(%dma_start3A_308 : memref<128x16xf32, #tpu.memory_space<hbm>>) target_semaphore(%arg8 : memref<!tpu.dma_semaphore, #tpu.memory_space<semaphore_mem>>)
    }
    %scan3A_6 = arith.constant 25 : i32
    %mul3A_7 = arith.constant 128 : i32
    %mul3A_8 = arith.muli %mul3A_2, %mul3A_7 : i32
    %dma_wait3A = arith.constant 0 : i32
    %dma_wait3A_9 = arith.constant 0 : i32
    %dma_wait3A_10 = arith.constant 0 : i32
    %dma_wait3A_11 = tpu.memref_slice %arg6[%dma_wait3A, %dma_wait3A_9, %dma_wait3A_10] : memref<5x128x16xf32, #tpu.memory_space<vmem>> -> memref<1x128x16xf32, #tpu.memory_space<vmem>>
    %dma_wait3A_12 = tpu.memref_squeeze %dma_wait3A_11 : memref<1x128x16xf32, #tpu.memory_space<vmem>> -> memref<128x16xf32, #tpu.memory_space<vmem>>
    %dma_wait3A_13 = arith.constant 0 : i32
    %dma_wait3A_14 = tpu.memref_slice %arg4[%mul3A_8, %dma_wait3A_13] : memref<512000x16xf32, #tpu.memory_space<hbm>> -> memref<128x16xf32, #tpu.memory_space<hbm>>
    %dma_wait3A_15 = arith.constant 0 : i32
    %dma_wait3A_16 = tpu.memref_slice %arg4[%mul3A_8, %dma_wait3A_15] : memref<512000x16xf32, #tpu.memory_space<hbm>> -> memref<128x16xf32, #tpu.memory_space<hbm>>
    %dma_wait3A_17 = arith.constant 0 : i32
    %dma_wait3A_18 = arith.constant 0 : i32
    %dma_wait3A_19 = tpu.memref_slice %arg6[%dma_wait3A, %dma_wait3A_17, %dma_wait3A_18] : memref<5x128x16xf32, #tpu.memory_space<vmem>> -> memref<1x128x16xf32, #tpu.memory_space<vmem>>
    %dma_wait3A_20 = tpu.memref_squeeze %dma_wait3A_19 : memref<1x128x16xf32, #tpu.memory_space<vmem>> -> memref<128x16xf32, #tpu.memory_space<vmem>>
    tpu.wait_dma2 semaphore(%arg8 : memref<!tpu.dma_semaphore, #tpu.memory_space<semaphore_mem>>) src(%dma_wait3A_20 : memref<128x16xf32, #tpu.memory_space<vmem>>) dst(%dma_wait3A_16 : memref<128x16xf32, #tpu.memory_space<hbm>>)
    %mul3A_21 = arith.constant 128 : i32
    %mul3A_22 = arith.muli %mul3A_2, %mul3A_21 : i32
    %dma_wait3A_23 = arith.constant 1 : i32
    %dma_wait3A_24 = arith.constant 0 : i32
    %dma_wait3A_25 = arith.constant 0 : i32
    %dma_wait3A_26 = tpu.memref_slice %arg6[%dma_wait3A_23, %dma_wait3A_24, %dma_wait3A_25] : memref<5x128x16xf32, #tpu.memory_space<vmem>> -> memref<1x128x16xf32, #tpu.memory_space<vmem>>
    %dma_wait3A_27 = tpu.memref_squeeze %dma_wait3A_26 : memref<1x128x16xf32, #tpu.memory_space<vmem>> -> memref<128x16xf32, #tpu.memory_space<vmem>>
    %dma_wait3A_28 = arith.constant 0 : i32
    %dma_wait3A_29 = tpu.memref_slice %arg4[%mul3A_22, %dma_wait3A_28] : memref<512000x16xf32, #tpu.memory_space<hbm>> -> memref<128x16xf32, #tpu.memory_space<hbm>>
    %dma_wait3A_30 = arith.constant 0 : i32
    %dma_wait3A_31 = tpu.memref_slice %arg4[%mul3A_22, %dma_wait3A_30] : memref<512000x16xf32, #tpu.memory_space<hbm>> -> memref<128x16xf32, #tpu.memory_space<hbm>>
    %dma_wait3A_32 = arith.constant 0 : i32
    %dma_wait3A_33 = arith.constant 0 : i32
    %dma_wait3A_34 = tpu.memref_slice %arg6[%dma_wait3A_23, %dma_wait3A_32, %dma_wait3A_33] : memref<5x128x16xf32, #tpu.memory_space<vmem>> -> memref<1x128x16xf32, #tpu.memory_space<vmem>>
    %dma_wait3A_35 = tpu.memref_squeeze %dma_wait3A_34 : memref<1x128x16xf32, #tpu.memory_space<vmem>> -> memref<128x16xf32, #tpu.memory_space<vmem>>
    tpu.wait_dma2 semaphore(%arg8 : memref<!tpu.dma_semaphore, #tpu.memory_space<semaphore_mem>>) src(%dma_wait3A_35 : memref<128x16xf32, #tpu.memory_space<vmem>>) dst(%dma_wait3A_31 : memref<128x16xf32, #tpu.memory_space<hbm>>)
    %mul3A_36 = arith.constant 128 : i32
    %mul3A_37 = arith.muli %mul3A_2, %mul3A_36 : i32
    %dma_wait3A_38 = arith.constant 2 : i32
    %dma_wait3A_39 = arith.constant 0 : i32
    %dma_wait3A_40 = arith.constant 0 : i32
    %dma_wait3A_41 = tpu.memref_slice %arg6[%dma_wait3A_38, %dma_wait3A_39, %dma_wait3A_40] : memref<5x128x16xf32, #tpu.memory_space<vmem>> -> memref<1x128x16xf32, #tpu.memory_space<vmem>>
    %dma_wait3A_42 = tpu.memref_squeeze %dma_wait3A_41 : memref<1x128x16xf32, #tpu.memory_space<vmem>> -> memref<128x16xf32, #tpu.memory_space<vmem>>
    %dma_wait3A_43 = arith.constant 0 : i32
    %dma_wait3A_44 = tpu.memref_slice %arg4[%mul3A_37, %dma_wait3A_43] : memref<512000x16xf32, #tpu.memory_space<hbm>> -> memref<128x16xf32, #tpu.memory_space<hbm>>
    %dma_wait3A_45 = arith.constant 0 : i32
    %dma_wait3A_46 = tpu.memref_slice %arg4[%mul3A_37, %dma_wait3A_45] : memref<512000x16xf32, #tpu.memory_space<hbm>> -> memref<128x16xf32, #tpu.memory_space<hbm>>
    %dma_wait3A_47 = arith.constant 0 : i32
    %dma_wait3A_48 = arith.constant 0 : i32
    %dma_wait3A_49 = tpu.memref_slice %arg6[%dma_wait3A_38, %dma_wait3A_47, %dma_wait3A_48] : memref<5x128x16xf32, #tpu.memory_space<vmem>> -> memref<1x128x16xf32, #tpu.memory_space<vmem>>
    %dma_wait3A_50 = tpu.memref_squeeze %dma_wait3A_49 : memref<1x128x16xf32, #tpu.memory_space<vmem>> -> memref<128x16xf32, #tpu.memory_space<vmem>>
    tpu.wait_dma2 semaphore(%arg8 : memref<!tpu.dma_semaphore, #tpu.memory_space<semaphore_mem>>) src(%dma_wait3A_50 : memref<128x16xf32, #tpu.memory_space<vmem>>) dst(%dma_wait3A_46 : memref<128x16xf32, #tpu.memory_space<hbm>>)
    %mul3A_51 = arith.constant 128 : i32
    %mul3A_52 = arith.muli %mul3A_2, %mul3A_51 : i32
    %dma_wait3A_53 = arith.constant 3 : i32
    %dma_wait3A_54 = arith.constant 0 : i32
    %dma_wait3A_55 = arith.constant 0 : i32
    %dma_wait3A_56 = tpu.memref_slice %arg6[%dma_wait3A_53, %dma_wait3A_54, %dma_wait3A_55] : memref<5x128x16xf32, #tpu.memory_space<vmem>> -> memref<1x128x16xf32, #tpu.memory_space<vmem>>
    %dma_wait3A_57 = tpu.memref_squeeze %dma_wait3A_56 : memref<1x128x16xf32, #tpu.memory_space<vmem>> -> memref<128x16xf32, #tpu.memory_space<vmem>>
    %dma_wait3A_58 = arith.constant 0 : i32
    %dma_wait3A_59 = tpu.memref_slice %arg4[%mul3A_52, %dma_wait3A_58] : memref<512000x16xf32, #tpu.memory_space<hbm>> -> memref<128x16xf32, #tpu.memory_space<hbm>>
    %dma_wait3A_60 = arith.constant 0 : i32
    %dma_wait3A_61 = tpu.memref_slice %arg4[%mul3A_52, %dma_wait3A_60] : memref<512000x16xf32, #tpu.memory_space<hbm>> -> memref<128x16xf32, #tpu.memory_space<hbm>>
    %dma_wait3A_62 = arith.constant 0 : i32
    %dma_wait3A_63 = arith.constant 0 : i32
    %dma_wait3A_64 = tpu.memref_slice %arg6[%dma_wait3A_53, %dma_wait3A_62, %dma_wait3A_63] : memref<5x128x16xf32, #tpu.memory_space<vmem>> -> memref<1x128x16xf32, #tpu.memory_space<vmem>>
    %dma_wait3A_65 = tpu.memref_squeeze %dma_wait3A_64 : memref<1x128x16xf32, #tpu.memory_space<vmem>> -> memref<128x16xf32, #tpu.memory_space<vmem>>
    tpu.wait_dma2 semaphore(%arg8 : memref<!tpu.dma_semaphore, #tpu.memory_space<semaphore_mem>>) src(%dma_wait3A_65 : memref<128x16xf32, #tpu.memory_space<vmem>>) dst(%dma_wait3A_61 : memref<128x16xf32, #tpu.memory_space<hbm>>)
    %mul3A_66 = arith.constant 128 : i32
    %mul3A_67 = arith.muli %mul3A_2, %mul3A_66 : i32
    %dma_wait3A_68 = arith.constant 4 : i32
    %dma_wait3A_69 = arith.constant 0 : i32
    %dma_wait3A_70 = arith.constant 0 : i32
    %dma_wait3A_71 = tpu.memref_slice %arg6[%dma_wait3A_68, %dma_wait3A_69, %dma_wait3A_70] : memref<5x128x16xf32, #tpu.memory_space<vmem>> -> memref<1x128x16xf32, #tpu.memory_space<vmem>>
    %dma_wait3A_72 = tpu.memref_squeeze %dma_wait3A_71 : memref<1x128x16xf32, #tpu.memory_space<vmem>> -> memref<128x16xf32, #tpu.memory_space<vmem>>
    %dma_wait3A_73 = arith.constant 0 : i32
    %dma_wait3A_74 = tpu.memref_slice %arg4[%mul3A_67, %dma_wait3A_73] : memref<512000x16xf32, #tpu.memory_space<hbm>> -> memref<128x16xf32, #tpu.memory_space<hbm>>
    %dma_wait3A_75 = arith.constant 0 : i32
    %dma_wait3A_76 = tpu.memref_slice %arg4[%mul3A_67, %dma_wait3A_75] : memref<512000x16xf32, #tpu.memory_space<hbm>> -> memref<128x16xf32, #tpu.memory_space<hbm>>
    %dma_wait3A_77 = arith.constant 0 : i32
    %dma_wait3A_78 = arith.constant 0 : i32
    %dma_wait3A_79 = tpu.memref_slice %arg6[%dma_wait3A_68, %dma_wait3A_77, %dma_wait3A_78] : memref<5x128x16xf32, #tpu.memory_space<vmem>> -> memref<1x128x16xf32, #tpu.memory_space<vmem>>
    %dma_wait3A_80 = tpu.memref_squeeze %dma_wait3A_79 : memref<1x128x16xf32, #tpu.memory_space<vmem>> -> memref<128x16xf32, #tpu.memory_space<vmem>>
    tpu.wait_dma2 semaphore(%arg8 : memref<!tpu.dma_semaphore, #tpu.memory_space<semaphore_mem>>) src(%dma_wait3A_80 : memref<128x16xf32, #tpu.memory_space<vmem>>) dst(%dma_wait3A_76 : memref<128x16xf32, #tpu.memory_space<hbm>>)
    return
  }
}

module attributes {stable_mosaic.version = 14 : i64} {
  func.func @_pass1_body(%arg0: i32, %arg1: i32, %arg2: memref<1x6400x1xf32, #tpu.memory_space<vmem>>, %arg3: memref<6400x16xf32, #tpu.memory_space<vmem>>, %arg4: memref<1x200x16xf32, #tpu.memory_space<vmem>>, %arg5: memref<1x17xf32, #tpu.memory_space<vmem>>, %arg6: memref<16x16xf32, #tpu.memory_space<vmem>>, %arg7: memref<16x16xf32, #tpu.memory_space<vmem>>, %arg8: memref<16x16xf32, #tpu.memory_space<vmem>>, %arg9: memref<16x16xf32, #tpu.memory_space<vmem>>, %arg10: memref<17x16xf32, #tpu.memory_space<vmem>>, %arg11: memref<17x16xf32, #tpu.memory_space<vmem>>, %arg12: memref<1x16xf32, #tpu.memory_space<vmem>>, %arg13: memref<1x16xf32, #tpu.memory_space<vmem>>, %arg14: memref<4x16xf32, #tpu.memory_space<vmem>>) attributes {dimension_semantics = [#tpu.dimension_semantics<arbitrary>, #tpu.dimension_semantics<arbitrary>], iteration_bounds = array<i64: 16, 5>, scalar_prefetch = 0 : i64, scratch_operands = 0 : i64, tpu.core_type = #tpu.core_type<tc>, window_params = [{transform_indices = @transform_0, window_bounds = array<i64: 1, 6400, 1>}, {transform_indices = @transform_1, window_bounds = array<i64: 6400, 16>}, {transform_indices = @transform_2, window_bounds = array<i64: 1, 200, 16>}, {pipeline_mode = #tpu.pipeline_mode<synchronous>, transform_indices = @transform_3, window_bounds = array<i64: 1, 17>}, {pipeline_mode = #tpu.pipeline_mode<synchronous>, transform_indices = @transform_4, window_bounds = array<i64: 16, 16>}, {pipeline_mode = #tpu.pipeline_mode<synchronous>, transform_indices = @transform_5, window_bounds = array<i64: 16, 16>}, {pipeline_mode = #tpu.pipeline_mode<synchronous>, transform_indices = @transform_6, window_bounds = array<i64: 16, 16>}, {pipeline_mode = #tpu.pipeline_mode<synchronous>, transform_indices = @transform_7, window_bounds = array<i64: 16, 16>}, {pipeline_mode = #tpu.pipeline_mode<synchronous>, transform_indices = @transform_8, window_bounds = array<i64: 17, 16>}, {pipeline_mode = #tpu.pipeline_mode<synchronous>, transform_indices = @transform_9, window_bounds = array<i64: 17, 16>}, {pipeline_mode = #tpu.pipeline_mode<synchronous>, transform_indices = @transform_10, window_bounds = array<i64: 1, 16>}, {pipeline_mode = #tpu.pipeline_mode<synchronous>, transform_indices = @transform_11, window_bounds = array<i64: 1, 16>}, {pipeline_mode = #tpu.pipeline_mode<synchronous>, transform_indices = @transform_12, window_bounds = array<i64: 4, 16>}]} {
    %get3A = arith.constant 0 : index
    %get3A_0 = arith.constant 0 : index
    %get3A_1 = arith.constant 0 : index
    %get3A_2 = vector.load %arg2[%get3A, %get3A_0, %get3A_1] : memref<1x6400x1xf32, #tpu.memory_space<vmem>>, vector<1x6400x1xf32>
    %get3A_3 = vector.shape_cast %get3A_2 : vector<1x6400x1xf32> to vector<6400x1xf32>
    %get3A_4 = arith.constant 0 : index
    %get3A_5 = arith.constant 0 : index
    %get3A_6 = vector.load %arg5[%get3A_4, %get3A_5] : memref<1x17xf32, #tpu.memory_space<vmem>>, vector<1x17xf32>
    %sub3A = vector.broadcast %get3A_3 : vector<6400x1xf32> to vector<6400x17xf32>
    %sub3A_7 = vector.broadcast %get3A_6 : vector<1x17xf32> to vector<6400x17xf32>
    %sub3A_8 = arith.subf %sub3A, %sub3A_7 : vector<6400x17xf32>
    %integer_pow3A = arith.mulf %sub3A_8, %sub3A_8 : vector<6400x17xf32>
    %mul3A = arith.constant -4.000000e+00 : f32
    %mul3A_9 = vector.broadcast %mul3A : f32 to vector<6400x17xf32>
    %mul3A_10 = arith.mulf %mul3A_9, %integer_pow3A : vector<6400x17xf32>
    %exp3A = math.exp %mul3A_10 : vector<6400x17xf32>
    %get3A_11 = arith.constant 0 : index
    %get3A_12 = arith.constant 0 : index
    %get3A_13 = vector.load %arg3[%get3A_11, %get3A_12] : memref<6400x16xf32, #tpu.memory_space<vmem>>, vector<6400x16xf32>
    %get3A_14 = arith.constant 0 : index
    %get3A_15 = arith.constant 0 : index
    %get3A_16 = arith.constant 0 : index
    %get3A_17 = vector.load %arg4[%get3A_14, %get3A_15, %get3A_16] : memref<1x200x16xf32, #tpu.memory_space<vmem>>, vector<1x200x16xf32>
    %get3A_18 = vector.shape_cast %get3A_17 : vector<1x200x16xf32> to vector<200x16xf32>
    %get3A_19 = arith.constant 0 : index
    %get3A_20 = arith.constant 0 : index
    %get3A_21 = vector.load %arg10[%get3A_19, %get3A_20] : memref<17x16xf32, #tpu.memory_space<vmem>>, vector<17x16xf32>
    %dot_general3A = arith.constant dense<0.000000e+00> : vector<6400x16xf32>
    %dot_general3A_22 = tpu.matmul %exp3A, %get3A_21, %dot_general3A {dimension_numbers = #tpu.dot_dimension_numbers<[1], [0], [0], [1], [0, 0, 1, 1], [], []>, transpose_lhs_hint = false} : vector<6400x17xf32>, vector<17x16xf32>, vector<6400x16xf32> -> vector<6400x16xf32>
    %get3A_23 = arith.constant 0 : index
    %get3A_24 = arith.constant 0 : index
    %get3A_25 = vector.load %arg8[%get3A_23, %get3A_24] : memref<16x16xf32, #tpu.memory_space<vmem>>, vector<16x16xf32>
    %dot_general3A_26 = arith.constant dense<0.000000e+00> : vector<6400x16xf32>
    %dot_general3A_27 = tpu.matmul %get3A_13, %get3A_25, %dot_general3A_26 {dimension_numbers = #tpu.dot_dimension_numbers<[1], [0], [0], [1], [0, 0, 1, 1], [], []>, transpose_lhs_hint = false} : vector<6400x16xf32>, vector<16x16xf32>, vector<6400x16xf32> -> vector<6400x16xf32>
    %add3A = arith.addf %dot_general3A_22, %dot_general3A_27 : vector<6400x16xf32>
    %get3A_28 = arith.constant 0 : index
    %get3A_29 = arith.constant 0 : index
    %get3A_30 = vector.load %arg6[%get3A_28, %get3A_29] : memref<16x16xf32, #tpu.memory_space<vmem>>, vector<16x16xf32>
    %dot_general3A_31 = arith.constant dense<0.000000e+00> : vector<200x16xf32>
    %dot_general3A_32 = tpu.matmul %get3A_18, %get3A_30, %dot_general3A_31 {dimension_numbers = #tpu.dot_dimension_numbers<[1], [0], [0], [1], [0, 0, 1, 1], [], []>, transpose_lhs_hint = false} : vector<200x16xf32>, vector<16x16xf32>, vector<200x16xf32> -> vector<200x16xf32>
    %broadcast_in_dim3A = vector.shape_cast %dot_general3A_32 : vector<200x16xf32> to vector<200x1x16xf32>
    %broadcast_in_dim3A_33 = vector.shape_cast %broadcast_in_dim3A : vector<200x1x16xf32> to vector<200x1x16xf32>
    %broadcast_in_dim3A_34 = vector.broadcast %broadcast_in_dim3A_33 : vector<200x1x16xf32> to vector<200x32x16xf32>
    %reshape3A = vector.shape_cast %broadcast_in_dim3A_34 : vector<200x32x16xf32> to vector<6400x16xf32>
    %add3A_35 = arith.addf %add3A, %reshape3A : vector<6400x16xf32>
    %get3A_36 = arith.constant 0 : index
    %get3A_37 = arith.constant 0 : index
    %get3A_38 = vector.load %arg12[%get3A_36, %get3A_37] : memref<1x16xf32, #tpu.memory_space<vmem>>, vector<1x16xf32>
    %add3A_39 = vector.broadcast %get3A_38 : vector<1x16xf32> to vector<6400x16xf32>
    %add3A_40 = arith.addf %add3A_35, %add3A_39 : vector<6400x16xf32>
    %get3A_41 = arith.constant 0 : index
    %get3A_42 = arith.constant 0 : index
    %get3A_43 = vector.load %arg11[%get3A_41, %get3A_42] : memref<17x16xf32, #tpu.memory_space<vmem>>, vector<17x16xf32>
    %dot_general3A_44 = arith.constant dense<0.000000e+00> : vector<6400x16xf32>
    %dot_general3A_45 = tpu.matmul %exp3A, %get3A_43, %dot_general3A_44 {dimension_numbers = #tpu.dot_dimension_numbers<[1], [0], [0], [1], [0, 0, 1, 1], [], []>, transpose_lhs_hint = false} : vector<6400x17xf32>, vector<17x16xf32>, vector<6400x16xf32> -> vector<6400x16xf32>
    %get3A_46 = arith.constant 0 : index
    %get3A_47 = arith.constant 0 : index
    %get3A_48 = vector.load %arg9[%get3A_46, %get3A_47] : memref<16x16xf32, #tpu.memory_space<vmem>>, vector<16x16xf32>
    %dot_general3A_49 = arith.constant dense<0.000000e+00> : vector<6400x16xf32>
    %dot_general3A_50 = tpu.matmul %get3A_13, %get3A_48, %dot_general3A_49 {dimension_numbers = #tpu.dot_dimension_numbers<[1], [0], [0], [1], [0, 0, 1, 1], [], []>, transpose_lhs_hint = false} : vector<6400x16xf32>, vector<16x16xf32>, vector<6400x16xf32> -> vector<6400x16xf32>
    %add3A_51 = arith.addf %dot_general3A_45, %dot_general3A_50 : vector<6400x16xf32>
    %get3A_52 = arith.constant 0 : index
    %get3A_53 = arith.constant 0 : index
    %get3A_54 = vector.load %arg7[%get3A_52, %get3A_53] : memref<16x16xf32, #tpu.memory_space<vmem>>, vector<16x16xf32>
    %dot_general3A_55 = arith.constant dense<0.000000e+00> : vector<200x16xf32>
    %dot_general3A_56 = tpu.matmul %get3A_18, %get3A_54, %dot_general3A_55 {dimension_numbers = #tpu.dot_dimension_numbers<[1], [0], [0], [1], [0, 0, 1, 1], [], []>, transpose_lhs_hint = false} : vector<200x16xf32>, vector<16x16xf32>, vector<200x16xf32> -> vector<200x16xf32>
    %broadcast_in_dim3A_57 = vector.shape_cast %dot_general3A_56 : vector<200x16xf32> to vector<200x1x16xf32>
    %broadcast_in_dim3A_58 = vector.shape_cast %broadcast_in_dim3A_57 : vector<200x1x16xf32> to vector<200x1x16xf32>
    %broadcast_in_dim3A_59 = vector.broadcast %broadcast_in_dim3A_58 : vector<200x1x16xf32> to vector<200x32x16xf32>
    %reshape3A_60 = vector.shape_cast %broadcast_in_dim3A_59 : vector<200x32x16xf32> to vector<6400x16xf32>
    %add3A_61 = arith.addf %add3A_51, %reshape3A_60 : vector<6400x16xf32>
    %get3A_62 = arith.constant 0 : index
    %get3A_63 = arith.constant 0 : index
    %get3A_64 = vector.load %arg13[%get3A_62, %get3A_63] : memref<1x16xf32, #tpu.memory_space<vmem>>, vector<1x16xf32>
    %add3A_65 = vector.broadcast %get3A_64 : vector<1x16xf32> to vector<6400x16xf32>
    %add3A_66 = arith.addf %add3A_61, %add3A_65 : vector<6400x16xf32>
    %reduce_sum3A = arith.constant dense<0.000000e+00> : vector<16xf32>
    %reduce_sum3A_67 = vector.multi_reduction <add>, %add3A_40, %reduce_sum3A [0] : vector<6400x16xf32> to vector<16xf32>
    %broadcast_in_dim3A_68 = vector.shape_cast %reduce_sum3A_67 : vector<16xf32> to vector<1x16xf32>
    %mul3A_69 = arith.mulf %add3A_40, %add3A_40 : vector<6400x16xf32>
    %reduce_sum3A_70 = arith.constant dense<0.000000e+00> : vector<16xf32>
    %reduce_sum3A_71 = vector.multi_reduction <add>, %mul3A_69, %reduce_sum3A_70 [0] : vector<6400x16xf32> to vector<16xf32>
    %broadcast_in_dim3A_72 = vector.shape_cast %reduce_sum3A_71 : vector<16xf32> to vector<1x16xf32>
    %reduce_sum3A_73 = arith.constant dense<0.000000e+00> : vector<16xf32>
    %reduce_sum3A_74 = vector.multi_reduction <add>, %add3A_66, %reduce_sum3A_73 [0] : vector<6400x16xf32> to vector<16xf32>
    %broadcast_in_dim3A_75 = vector.shape_cast %reduce_sum3A_74 : vector<16xf32> to vector<1x16xf32>
    %mul3A_76 = arith.mulf %add3A_66, %add3A_66 : vector<6400x16xf32>
    %reduce_sum3A_77 = arith.constant dense<0.000000e+00> : vector<16xf32>
    %reduce_sum3A_78 = vector.multi_reduction <add>, %mul3A_76, %reduce_sum3A_77 [0] : vector<6400x16xf32> to vector<16xf32>
    %broadcast_in_dim3A_79 = vector.shape_cast %reduce_sum3A_78 : vector<16xf32> to vector<1x16xf32>
    %concatenate3A = tpu.concatenate %broadcast_in_dim3A_68, %broadcast_in_dim3A_72, %broadcast_in_dim3A_75, %broadcast_in_dim3A_79 in 0 : vector<1x16xf32>, vector<1x16xf32>, vector<1x16xf32>, vector<1x16xf32> -> vector<4x16xf32>
    %eq3A = arith.constant 0 : i32
    %eq3A_80 = arith.cmpi eq, %arg0, %eq3A : i32
    %eq3A_81 = arith.constant 0 : i32
    %eq3A_82 = arith.cmpi eq, %arg1, %eq3A_81 : i32
    %and3A = arith.andi %eq3A_80, %eq3A_82 : i1
    %convert_element_type3A = arith.extui %and3A : i1 to i32
    %cond3A = arith.constant 0 : i32
    %cond3A_83 = arith.cmpi ne, %convert_element_type3A, %cond3A : i32
    scf.if %cond3A_83 {
      %broadcast_in_dim3A_90 = arith.constant 0.000000e+00 : f32
      %broadcast_in_dim3A_91 = vector.broadcast %broadcast_in_dim3A_90 : f32 to vector<4x16xf32>
      %swap3A_92 = arith.constant 0 : index
      %swap3A_93 = arith.constant 0 : index
      %swap3A_94 = vector.load %arg14[%swap3A_92, %swap3A_93] : memref<4x16xf32, #tpu.memory_space<vmem>>, vector<4x16xf32>
      tpu.vector_store %arg14[%swap3A_92, %swap3A_93], %broadcast_in_dim3A_91 {strides = array<i32>} : memref<4x16xf32, #tpu.memory_space<vmem>>, vector<4x16xf32>,
    } else {
    }
    %get3A_84 = arith.constant 0 : index
    %get3A_85 = arith.constant 0 : index
    %get3A_86 = vector.load %arg14[%get3A_84, %get3A_85] : memref<4x16xf32, #tpu.memory_space<vmem>>, vector<4x16xf32>
    %add3A_87 = arith.addf %get3A_86, %concatenate3A : vector<4x16xf32>
    %swap3A = arith.constant 0 : index
    %swap3A_88 = arith.constant 0 : index
    %swap3A_89 = vector.load %arg14[%swap3A, %swap3A_88] : memref<4x16xf32, #tpu.memory_space<vmem>>, vector<4x16xf32>
    tpu.vector_store %arg14[%swap3A, %swap3A_88], %add3A_87 {strides = array<i32>} : memref<4x16xf32, #tpu.memory_space<vmem>>, vector<4x16xf32>,
    return
  }
  func.func @transform_0(%arg0: i32, %arg1: i32) -> (i32, i32, i32) {
    %c0_i32 = arith.constant 0 : i32
    %c0_i32_0 = arith.constant 0 : i32
    return %arg0, %arg1, %c0_i32 : i32, i32, i32
  }
  func.func @transform_1(%arg0: i32, %arg1: i32) -> (i32, i32) {
    %mul3A = arith.constant 5 : i32
    %mul3A_0 = arith.muli %arg0, %mul3A : i32
    %add3A = arith.addi %mul3A_0, %arg1 : i32
    %c0_i32 = arith.constant 0 : i32
    %c0_i32_1 = arith.constant 0 : i32
    return %add3A, %c0_i32 : i32, i32
  }
  func.func @transform_2(%arg0: i32, %arg1: i32) -> (i32, i32, i32) {
    %c0_i32 = arith.constant 0 : i32
    %c0_i32_0 = arith.constant 0 : i32
    return %arg0, %arg1, %c0_i32 : i32, i32, i32
  }
  func.func @transform_3(%arg0: i32, %arg1: i32) -> (i32, i32) {
    %c0_i32 = arith.constant 0 : i32
    %c0_i32_0 = arith.constant 0 : i32
    %c0_i32_1 = arith.constant 0 : i32
    return %c0_i32, %c0_i32_0 : i32, i32
  }
  func.func @transform_4(%arg0: i32, %arg1: i32) -> (i32, i32) {
    %c0_i32 = arith.constant 0 : i32
    %c0_i32_0 = arith.constant 0 : i32
    %c0_i32_1 = arith.constant 0 : i32
    return %c0_i32, %c0_i32_0 : i32, i32
  }
  func.func @transform_5(%arg0: i32, %arg1: i32) -> (i32, i32) {
    %c0_i32 = arith.constant 0 : i32
    %c0_i32_0 = arith.constant 0 : i32
    %c0_i32_1 = arith.constant 0 : i32
    return %c0_i32, %c0_i32_0 : i32, i32
  }
  func.func @transform_6(%arg0: i32, %arg1: i32) -> (i32, i32) {
    %c0_i32 = arith.constant 0 : i32
    %c0_i32_0 = arith.constant 0 : i32
    %c0_i32_1 = arith.constant 0 : i32
    return %c0_i32, %c0_i32_0 : i32, i32
  }
  func.func @transform_7(%arg0: i32, %arg1: i32) -> (i32, i32) {
    %c0_i32 = arith.constant 0 : i32
    %c0_i32_0 = arith.constant 0 : i32
    %c0_i32_1 = arith.constant 0 : i32
    return %c0_i32, %c0_i32_0 : i32, i32
  }
  func.func @transform_8(%arg0: i32, %arg1: i32) -> (i32, i32) {
    %c0_i32 = arith.constant 0 : i32
    %c0_i32_0 = arith.constant 0 : i32
    %c0_i32_1 = arith.constant 0 : i32
    return %c0_i32, %c0_i32_0 : i32, i32
  }
  func.func @transform_9(%arg0: i32, %arg1: i32) -> (i32, i32) {
    %c0_i32 = arith.constant 0 : i32
    %c0_i32_0 = arith.constant 0 : i32
    %c0_i32_1 = arith.constant 0 : i32
    return %c0_i32, %c0_i32_0 : i32, i32
  }
  func.func @transform_10(%arg0: i32, %arg1: i32) -> (i32, i32) {
    %c0_i32 = arith.constant 0 : i32
    %c0_i32_0 = arith.constant 0 : i32
    %c0_i32_1 = arith.constant 0 : i32
    return %c0_i32, %c0_i32_0 : i32, i32
  }
  func.func @transform_11(%arg0: i32, %arg1: i32) -> (i32, i32) {
    %c0_i32 = arith.constant 0 : i32
    %c0_i32_0 = arith.constant 0 : i32
    %c0_i32_1 = arith.constant 0 : i32
    return %c0_i32, %c0_i32_0 : i32, i32
  }
  func.func @transform_12(%arg0: i32, %arg1: i32) -> (i32, i32) {
    %c0_i32 = arith.constant 0 : i32
    %c0_i32_0 = arith.constant 0 : i32
    %c0_i32_1 = arith.constant 0 : i32
    return %c0_i32, %c0_i32_0 : i32, i32
  }
}

module attributes {stable_mosaic.version = 14 : i64} {
  func.func @_pass2_body(%arg0: i32, %arg1: i32, %arg2: memref<1x6400x1xf32, #tpu.memory_space<vmem>>, %arg3: memref<6400x16xf32, #tpu.memory_space<vmem>>, %arg4: memref<1x200x16xf32, #tpu.memory_space<vmem>>, %arg5: memref<1x17xf32, #tpu.memory_space<vmem>>, %arg6: memref<16x16xf32, #tpu.memory_space<vmem>>, %arg7: memref<16x16xf32, #tpu.memory_space<vmem>>, %arg8: memref<16x16xf32, #tpu.memory_space<vmem>>, %arg9: memref<16x16xf32, #tpu.memory_space<vmem>>, %arg10: memref<17x16xf32, #tpu.memory_space<vmem>>, %arg11: memref<17x16xf32, #tpu.memory_space<vmem>>, %arg12: memref<1x16xf32, #tpu.memory_space<vmem>>, %arg13: memref<1x16xf32, #tpu.memory_space<vmem>>, %arg14: memref<1x16xf32, #tpu.memory_space<vmem>>, %arg15: memref<1x16xf32, #tpu.memory_space<vmem>>, %arg16: memref<1x16xf32, #tpu.memory_space<vmem>>, %arg17: memref<1x16xf32, #tpu.memory_space<vmem>>, %arg18: memref<1x200x16xf32, #tpu.memory_space<vmem>>, %arg19: memref<2x16xf32, #tpu.memory_space<vmem>>) attributes {dimension_semantics = [#tpu.dimension_semantics<arbitrary>, #tpu.dimension_semantics<arbitrary>], iteration_bounds = array<i64: 16, 5>, scalar_prefetch = 0 : i64, scratch_operands = 0 : i64, tpu.core_type = #tpu.core_type<tc>, window_params = [{transform_indices = @transform_0, window_bounds = array<i64: 1, 6400, 1>}, {transform_indices = @transform_1, window_bounds = array<i64: 6400, 16>}, {transform_indices = @transform_2, window_bounds = array<i64: 1, 200, 16>}, {pipeline_mode = #tpu.pipeline_mode<synchronous>, transform_indices = @transform_3, window_bounds = array<i64: 1, 17>}, {pipeline_mode = #tpu.pipeline_mode<synchronous>, transform_indices = @transform_4, window_bounds = array<i64: 16, 16>}, {pipeline_mode = #tpu.pipeline_mode<synchronous>, transform_indices = @transform_5, window_bounds = array<i64: 16, 16>}, {pipeline_mode = #tpu.pipeline_mode<synchronous>, transform_indices = @transform_6, window_bounds = array<i64: 16, 16>}, {pipeline_mode = #tpu.pipeline_mode<synchronous>, transform_indices = @transform_7, window_bounds = array<i64: 16, 16>}, {pipeline_mode = #tpu.pipeline_mode<synchronous>, transform_indices = @transform_8, window_bounds = array<i64: 17, 16>}, {pipeline_mode = #tpu.pipeline_mode<synchronous>, transform_indices = @transform_9, window_bounds = array<i64: 17, 16>}, {pipeline_mode = #tpu.pipeline_mode<synchronous>, transform_indices = @transform_10, window_bounds = array<i64: 1, 16>}, {pipeline_mode = #tpu.pipeline_mode<synchronous>, transform_indices = @transform_11, window_bounds = array<i64: 1, 16>}, {pipeline_mode = #tpu.pipeline_mode<synchronous>, transform_indices = @transform_12, window_bounds = array<i64: 1, 16>}, {pipeline_mode = #tpu.pipeline_mode<synchronous>, transform_indices = @transform_13, window_bounds = array<i64: 1, 16>}, {pipeline_mode = #tpu.pipeline_mode<synchronous>, transform_indices = @transform_14, window_bounds = array<i64: 1, 16>}, {pipeline_mode = #tpu.pipeline_mode<synchronous>, transform_indices = @transform_15, window_bounds = array<i64: 1, 16>}, {transform_indices = @transform_16, window_bounds = array<i64: 1, 200, 16>}, {pipeline_mode = #tpu.pipeline_mode<synchronous>, transform_indices = @transform_17, window_bounds = array<i64: 2, 16>}]} {
    %get3A = arith.constant 0 : index
    %get3A_0 = arith.constant 0 : index
    %get3A_1 = arith.constant 0 : index
    %get3A_2 = vector.load %arg2[%get3A, %get3A_0, %get3A_1] : memref<1x6400x1xf32, #tpu.memory_space<vmem>>, vector<1x6400x1xf32>
    %get3A_3 = vector.shape_cast %get3A_2 : vector<1x6400x1xf32> to vector<6400x1xf32>
    %get3A_4 = arith.constant 0 : index
    %get3A_5 = arith.constant 0 : index
    %get3A_6 = vector.load %arg5[%get3A_4, %get3A_5] : memref<1x17xf32, #tpu.memory_space<vmem>>, vector<1x17xf32>
    %sub3A = vector.broadcast %get3A_3 : vector<6400x1xf32> to vector<6400x17xf32>
    %sub3A_7 = vector.broadcast %get3A_6 : vector<1x17xf32> to vector<6400x17xf32>
    %sub3A_8 = arith.subf %sub3A, %sub3A_7 : vector<6400x17xf32>
    %integer_pow3A = arith.mulf %sub3A_8, %sub3A_8 : vector<6400x17xf32>
    %mul3A = arith.constant -4.000000e+00 : f32
    %mul3A_9 = vector.broadcast %mul3A : f32 to vector<6400x17xf32>
    %mul3A_10 = arith.mulf %mul3A_9, %integer_pow3A : vector<6400x17xf32>
    %exp3A = math.exp %mul3A_10 : vector<6400x17xf32>
    %get3A_11 = arith.constant 0 : index
    %get3A_12 = arith.constant 0 : index
    %get3A_13 = vector.load %arg3[%get3A_11, %get3A_12] : memref<6400x16xf32, #tpu.memory_space<vmem>>, vector<6400x16xf32>
    %get3A_14 = arith.constant 0 : index
    %get3A_15 = arith.constant 0 : index
    %get3A_16 = arith.constant 0 : index
    %get3A_17 = vector.load %arg4[%get3A_14, %get3A_15, %get3A_16] : memref<1x200x16xf32, #tpu.memory_space<vmem>>, vector<1x200x16xf32>
    %get3A_18 = vector.shape_cast %get3A_17 : vector<1x200x16xf32> to vector<200x16xf32>
    %get3A_19 = arith.constant 0 : index
    %get3A_20 = arith.constant 0 : index
    %get3A_21 = vector.load %arg10[%get3A_19, %get3A_20] : memref<17x16xf32, #tpu.memory_space<vmem>>, vector<17x16xf32>
    %dot_general3A = arith.constant dense<0.000000e+00> : vector<6400x16xf32>
    %dot_general3A_22 = tpu.matmul %exp3A, %get3A_21, %dot_general3A {dimension_numbers = #tpu.dot_dimension_numbers<[1], [0], [0], [1], [0, 0, 1, 1], [], []>, transpose_lhs_hint = false} : vector<6400x17xf32>, vector<17x16xf32>, vector<6400x16xf32> -> vector<6400x16xf32>
    %get3A_23 = arith.constant 0 : index
    %get3A_24 = arith.constant 0 : index
    %get3A_25 = vector.load %arg8[%get3A_23, %get3A_24] : memref<16x16xf32, #tpu.memory_space<vmem>>, vector<16x16xf32>
    %dot_general3A_26 = arith.constant dense<0.000000e+00> : vector<6400x16xf32>
    %dot_general3A_27 = tpu.matmul %get3A_13, %get3A_25, %dot_general3A_26 {dimension_numbers = #tpu.dot_dimension_numbers<[1], [0], [0], [1], [0, 0, 1, 1], [], []>, transpose_lhs_hint = false} : vector<6400x16xf32>, vector<16x16xf32>, vector<6400x16xf32> -> vector<6400x16xf32>
    %add3A = arith.addf %dot_general3A_22, %dot_general3A_27 : vector<6400x16xf32>
    %get3A_28 = arith.constant 0 : index
    %get3A_29 = arith.constant 0 : index
    %get3A_30 = vector.load %arg6[%get3A_28, %get3A_29] : memref<16x16xf32, #tpu.memory_space<vmem>>, vector<16x16xf32>
    %dot_general3A_31 = arith.constant dense<0.000000e+00> : vector<200x16xf32>
    %dot_general3A_32 = tpu.matmul %get3A_18, %get3A_30, %dot_general3A_31 {dimension_numbers = #tpu.dot_dimension_numbers<[1], [0], [0], [1], [0, 0, 1, 1], [], []>, transpose_lhs_hint = false} : vector<200x16xf32>, vector<16x16xf32>, vector<200x16xf32> -> vector<200x16xf32>
    %broadcast_in_dim3A = vector.shape_cast %dot_general3A_32 : vector<200x16xf32> to vector<200x1x16xf32>
    %broadcast_in_dim3A_33 = vector.shape_cast %broadcast_in_dim3A : vector<200x1x16xf32> to vector<200x1x16xf32>
    %broadcast_in_dim3A_34 = vector.broadcast %broadcast_in_dim3A_33 : vector<200x1x16xf32> to vector<200x32x16xf32>
    %reshape3A = vector.shape_cast %broadcast_in_dim3A_34 : vector<200x32x16xf32> to vector<6400x16xf32>
    %add3A_35 = arith.addf %add3A, %reshape3A : vector<6400x16xf32>
    %get3A_36 = arith.constant 0 : index
    %get3A_37 = arith.constant 0 : index
    %get3A_38 = vector.load %arg12[%get3A_36, %get3A_37] : memref<1x16xf32, #tpu.memory_space<vmem>>, vector<1x16xf32>
    %add3A_39 = vector.broadcast %get3A_38 : vector<1x16xf32> to vector<6400x16xf32>
    %add3A_40 = arith.addf %add3A_35, %add3A_39 : vector<6400x16xf32>
    %get3A_41 = arith.constant 0 : index
    %get3A_42 = arith.constant 0 : index
    %get3A_43 = vector.load %arg11[%get3A_41, %get3A_42] : memref<17x16xf32, #tpu.memory_space<vmem>>, vector<17x16xf32>
    %dot_general3A_44 = arith.constant dense<0.000000e+00> : vector<6400x16xf32>
    %dot_general3A_45 = tpu.matmul %exp3A, %get3A_43, %dot_general3A_44 {dimension_numbers = #tpu.dot_dimension_numbers<[1], [0], [0], [1], [0, 0, 1, 1], [], []>, transpose_lhs_hint = false} : vector<6400x17xf32>, vector<17x16xf32>, vector<6400x16xf32> -> vector<6400x16xf32>
    %get3A_46 = arith.constant 0 : index
    %get3A_47 = arith.constant 0 : index
    %get3A_48 = vector.load %arg9[%get3A_46, %get3A_47] : memref<16x16xf32, #tpu.memory_space<vmem>>, vector<16x16xf32>
    %dot_general3A_49 = arith.constant dense<0.000000e+00> : vector<6400x16xf32>
    %dot_general3A_50 = tpu.matmul %get3A_13, %get3A_48, %dot_general3A_49 {dimension_numbers = #tpu.dot_dimension_numbers<[1], [0], [0], [1], [0, 0, 1, 1], [], []>, transpose_lhs_hint = false} : vector<6400x16xf32>, vector<16x16xf32>, vector<6400x16xf32> -> vector<6400x16xf32>
    %add3A_51 = arith.addf %dot_general3A_45, %dot_general3A_50 : vector<6400x16xf32>
    %get3A_52 = arith.constant 0 : index
    %get3A_53 = arith.constant 0 : index
    %get3A_54 = vector.load %arg7[%get3A_52, %get3A_53] : memref<16x16xf32, #tpu.memory_space<vmem>>, vector<16x16xf32>
    %dot_general3A_55 = arith.constant dense<0.000000e+00> : vector<200x16xf32>
    %dot_general3A_56 = tpu.matmul %get3A_18, %get3A_54, %dot_general3A_55 {dimension_numbers = #tpu.dot_dimension_numbers<[1], [0], [0], [1], [0, 0, 1, 1], [], []>, transpose_lhs_hint = false} : vector<200x16xf32>, vector<16x16xf32>, vector<200x16xf32> -> vector<200x16xf32>
    %broadcast_in_dim3A_57 = vector.shape_cast %dot_general3A_56 : vector<200x16xf32> to vector<200x1x16xf32>
    %broadcast_in_dim3A_58 = vector.shape_cast %broadcast_in_dim3A_57 : vector<200x1x16xf32> to vector<200x1x16xf32>
    %broadcast_in_dim3A_59 = vector.broadcast %broadcast_in_dim3A_58 : vector<200x1x16xf32> to vector<200x32x16xf32>
    %reshape3A_60 = vector.shape_cast %broadcast_in_dim3A_59 : vector<200x32x16xf32> to vector<6400x16xf32>
    %add3A_61 = arith.addf %add3A_51, %reshape3A_60 : vector<6400x16xf32>
    %get3A_62 = arith.constant 0 : index
    %get3A_63 = arith.constant 0 : index
    %get3A_64 = vector.load %arg13[%get3A_62, %get3A_63] : memref<1x16xf32, #tpu.memory_space<vmem>>, vector<1x16xf32>
    %add3A_65 = vector.broadcast %get3A_64 : vector<1x16xf32> to vector<6400x16xf32>
    %add3A_66 = arith.addf %add3A_61, %add3A_65 : vector<6400x16xf32>
    %get3A_67 = arith.constant 0 : index
    %get3A_68 = arith.constant 0 : index
    %get3A_69 = vector.load %arg14[%get3A_67, %get3A_68] : memref<1x16xf32, #tpu.memory_space<vmem>>, vector<1x16xf32>
    %mul3A_70 = vector.broadcast %get3A_69 : vector<1x16xf32> to vector<6400x16xf32>
    %mul3A_71 = arith.mulf %add3A_40, %mul3A_70 : vector<6400x16xf32>
    %get3A_72 = arith.constant 0 : index
    %get3A_73 = arith.constant 0 : index
    %get3A_74 = vector.load %arg15[%get3A_72, %get3A_73] : memref<1x16xf32, #tpu.memory_space<vmem>>, vector<1x16xf32>
    %add3A_75 = vector.broadcast %get3A_74 : vector<1x16xf32> to vector<6400x16xf32>
    %add3A_76 = arith.addf %mul3A_71, %add3A_75 : vector<6400x16xf32>
    %logistic3A = arith.negf %add3A_76 : vector<6400x16xf32>
    %logistic3A_77 = math.exp %logistic3A : vector<6400x16xf32>
    %logistic3A_78 = arith.constant 1.000000e+00 : f32
    %logistic3A_79 = vector.broadcast %logistic3A_78 : f32 to vector<6400x16xf32>
    %logistic3A_80 = arith.addf %logistic3A_79, %logistic3A_77 : vector<6400x16xf32>
    %logistic3A_81 = arith.divf %logistic3A_79, %logistic3A_80 : vector<6400x16xf32>
    %get3A_82 = arith.constant 0 : index
    %get3A_83 = arith.constant 0 : index
    %get3A_84 = vector.load %arg16[%get3A_82, %get3A_83] : memref<1x16xf32, #tpu.memory_space<vmem>>, vector<1x16xf32>
    %mul3A_85 = vector.broadcast %get3A_84 : vector<1x16xf32> to vector<6400x16xf32>
    %mul3A_86 = arith.mulf %add3A_66, %mul3A_85 : vector<6400x16xf32>
    %get3A_87 = arith.constant 0 : index
    %get3A_88 = arith.constant 0 : index
    %get3A_89 = vector.load %arg17[%get3A_87, %get3A_88] : memref<1x16xf32, #tpu.memory_space<vmem>>, vector<1x16xf32>
    %add3A_90 = vector.broadcast %get3A_89 : vector<1x16xf32> to vector<6400x16xf32>
    %add3A_91 = arith.addf %mul3A_86, %add3A_90 : vector<6400x16xf32>
    %max3A = arith.constant 0.000000e+00 : f32
    %max3A_92 = vector.broadcast %max3A : f32 to vector<6400x16xf32>
    %max3A_93 = arith.maximumf %add3A_91, %max3A_92 : vector<6400x16xf32>
    %mul3A_94 = arith.mulf %logistic3A_81, %max3A_93 : vector<6400x16xf32>
    %reshape3A_95 = vector.shape_cast %mul3A_94 : vector<6400x16xf32> to vector<200x32x16xf32>
    %reduce_sum3A = arith.constant dense<0.000000e+00> : vector<200x16xf32>
    %reduce_sum3A_96 = vector.multi_reduction <add>, %reshape3A_95, %reduce_sum3A [1] : vector<200x32x16xf32> to vector<200x16xf32>
    %broadcast_in_dim3A_97 = vector.shape_cast %reduce_sum3A_96 : vector<200x16xf32> to vector<1x200x16xf32>
    %swap3A = arith.constant 0 : index
    %swap3A_98 = arith.constant 0 : index
    %swap3A_99 = arith.constant 0 : index
    %swap3A_100 = vector.load %arg18[%swap3A, %swap3A_98, %swap3A_99] : memref<1x200x16xf32, #tpu.memory_space<vmem>>, vector<1x200x16xf32>
    tpu.vector_store %arg18[%swap3A, %swap3A_98, %swap3A_99], %broadcast_in_dim3A_97 {strides = array<i32>} : memref<1x200x16xf32, #tpu.memory_space<vmem>>, vector<1x200x16xf32>,
    %reduce_sum3A_101 = arith.constant dense<0.000000e+00> : vector<16xf32>
    %reduce_sum3A_102 = vector.multi_reduction <add>, %reduce_sum3A_96, %reduce_sum3A_101 [0] : vector<200x16xf32> to vector<16xf32>
    %broadcast_in_dim3A_103 = vector.shape_cast %reduce_sum3A_102 : vector<16xf32> to vector<1x16xf32>
    %mul3A_104 = arith.mulf %reduce_sum3A_96, %reduce_sum3A_96 : vector<200x16xf32>
    %reduce_sum3A_105 = arith.constant dense<0.000000e+00> : vector<16xf32>
    %reduce_sum3A_106 = vector.multi_reduction <add>, %mul3A_104, %reduce_sum3A_105 [0] : vector<200x16xf32> to vector<16xf32>
    %broadcast_in_dim3A_107 = vector.shape_cast %reduce_sum3A_106 : vector<16xf32> to vector<1x16xf32>
    %concatenate3A = tpu.concatenate %broadcast_in_dim3A_103, %broadcast_in_dim3A_107 in 0 : vector<1x16xf32>, vector<1x16xf32> -> vector<2x16xf32>
    %eq3A = arith.constant 0 : i32
    %eq3A_108 = arith.cmpi eq, %arg0, %eq3A : i32
    %eq3A_109 = arith.constant 0 : i32
    %eq3A_110 = arith.cmpi eq, %arg1, %eq3A_109 : i32
    %and3A = arith.andi %eq3A_108, %eq3A_110 : i1
    %convert_element_type3A = arith.extui %and3A : i1 to i32
    %cond3A = arith.constant 0 : i32
    %cond3A_111 = arith.cmpi ne, %convert_element_type3A, %cond3A : i32
    scf.if %cond3A_111 {
      %broadcast_in_dim3A_119 = arith.constant 0.000000e+00 : f32
      %broadcast_in_dim3A_120 = vector.broadcast %broadcast_in_dim3A_119 : f32 to vector<2x16xf32>
      %swap3A_121 = arith.constant 0 : index
      %swap3A_122 = arith.constant 0 : index
      %swap3A_123 = vector.load %arg19[%swap3A_121, %swap3A_122] : memref<2x16xf32, #tpu.memory_space<vmem>>, vector<2x16xf32>
      tpu.vector_store %arg19[%swap3A_121, %swap3A_122], %broadcast_in_dim3A_120 {strides = array<i32>} : memref<2x16xf32, #tpu.memory_space<vmem>>, vector<2x16xf32>,
    } else {
    }
    %get3A_112 = arith.constant 0 : index
    %get3A_113 = arith.constant 0 : index
    %get3A_114 = vector.load %arg19[%get3A_112, %get3A_113] : memref<2x16xf32, #tpu.memory_space<vmem>>, vector<2x16xf32>
    %add3A_115 = arith.addf %get3A_114, %concatenate3A : vector<2x16xf32>
    %swap3A_116 = arith.constant 0 : index
    %swap3A_117 = arith.constant 0 : index
    %swap3A_118 = vector.load %arg19[%swap3A_116, %swap3A_117] : memref<2x16xf32, #tpu.memory_space<vmem>>, vector<2x16xf32>
    tpu.vector_store %arg19[%swap3A_116, %swap3A_117], %add3A_115 {strides = array<i32>} : memref<2x16xf32, #tpu.memory_space<vmem>>, vector<2x16xf32>,
    return
  }
  func.func @transform_0(%arg0: i32, %arg1: i32) -> (i32, i32, i32) {
    %c0_i32 = arith.constant 0 : i32
    %c0_i32_0 = arith.constant 0 : i32
    return %arg0, %arg1, %c0_i32 : i32, i32, i32
  }
  func.func @transform_1(%arg0: i32, %arg1: i32) -> (i32, i32) {
    %mul3A = arith.constant 5 : i32
    %mul3A_0 = arith.muli %arg0, %mul3A : i32
    %add3A = arith.addi %mul3A_0, %arg1 : i32
    %c0_i32 = arith.constant 0 : i32
    %c0_i32_1 = arith.constant 0 : i32
    return %add3A, %c0_i32 : i32, i32
  }
  func.func @transform_2(%arg0: i32, %arg1: i32) -> (i32, i32, i32) {
    %c0_i32 = arith.constant 0 : i32
    %c0_i32_0 = arith.constant 0 : i32
    return %arg0, %arg1, %c0_i32 : i32, i32, i32
  }
  func.func @transform_3(%arg0: i32, %arg1: i32) -> (i32, i32) {
    %c0_i32 = arith.constant 0 : i32
    %c0_i32_0 = arith.constant 0 : i32
    %c0_i32_1 = arith.constant 0 : i32
    return %c0_i32, %c0_i32_0 : i32, i32
  }
  func.func @transform_4(%arg0: i32, %arg1: i32) -> (i32, i32) {
    %c0_i32 = arith.constant 0 : i32
    %c0_i32_0 = arith.constant 0 : i32
    %c0_i32_1 = arith.constant 0 : i32
    return %c0_i32, %c0_i32_0 : i32, i32
  }
  func.func @transform_5(%arg0: i32, %arg1: i32) -> (i32, i32) {
    %c0_i32 = arith.constant 0 : i32
    %c0_i32_0 = arith.constant 0 : i32
    %c0_i32_1 = arith.constant 0 : i32
    return %c0_i32, %c0_i32_0 : i32, i32
  }
  func.func @transform_6(%arg0: i32, %arg1: i32) -> (i32, i32) {
    %c0_i32 = arith.constant 0 : i32
    %c0_i32_0 = arith.constant 0 : i32
    %c0_i32_1 = arith.constant 0 : i32
    return %c0_i32, %c0_i32_0 : i32, i32
  }
  func.func @transform_7(%arg0: i32, %arg1: i32) -> (i32, i32) {
    %c0_i32 = arith.constant 0 : i32
    %c0_i32_0 = arith.constant 0 : i32
    %c0_i32_1 = arith.constant 0 : i32
    return %c0_i32, %c0_i32_0 : i32, i32
  }
  func.func @transform_8(%arg0: i32, %arg1: i32) -> (i32, i32) {
    %c0_i32 = arith.constant 0 : i32
    %c0_i32_0 = arith.constant 0 : i32
    %c0_i32_1 = arith.constant 0 : i32
    return %c0_i32, %c0_i32_0 : i32, i32
  }
  func.func @transform_9(%arg0: i32, %arg1: i32) -> (i32, i32) {
    %c0_i32 = arith.constant 0 : i32
    %c0_i32_0 = arith.constant 0 : i32
    %c0_i32_1 = arith.constant 0 : i32
    return %c0_i32, %c0_i32_0 : i32, i32
  }
  func.func @transform_10(%arg0: i32, %arg1: i32) -> (i32, i32) {
    %c0_i32 = arith.constant 0 : i32
    %c0_i32_0 = arith.constant 0 : i32
    %c0_i32_1 = arith.constant 0 : i32
    return %c0_i32, %c0_i32_0 : i32, i32
  }
  func.func @transform_11(%arg0: i32, %arg1: i32) -> (i32, i32) {
    %c0_i32 = arith.constant 0 : i32
    %c0_i32_0 = arith.constant 0 : i32
    %c0_i32_1 = arith.constant 0 : i32
    return %c0_i32, %c0_i32_0 : i32, i32
  }
  func.func @transform_12(%arg0: i32, %arg1: i32) -> (i32, i32) {
    %c0_i32 = arith.constant 0 : i32
    %c0_i32_0 = arith.constant 0 : i32
    %c0_i32_1 = arith.constant 0 : i32
    return %c0_i32, %c0_i32_0 : i32, i32
  }
  func.func @transform_13(%arg0: i32, %arg1: i32) -> (i32, i32) {
    %c0_i32 = arith.constant 0 : i32
    %c0_i32_0 = arith.constant 0 : i32
    %c0_i32_1 = arith.constant 0 : i32
    return %c0_i32, %c0_i32_0 : i32, i32
  }
  func.func @transform_14(%arg0: i32, %arg1: i32) -> (i32, i32) {
    %c0_i32 = arith.constant 0 : i32
    %c0_i32_0 = arith.constant 0 : i32
    %c0_i32_1 = arith.constant 0 : i32
    return %c0_i32, %c0_i32_0 : i32, i32
  }
  func.func @transform_15(%arg0: i32, %arg1: i32) -> (i32, i32) {
    %c0_i32 = arith.constant 0 : i32
    %c0_i32_0 = arith.constant 0 : i32
    %c0_i32_1 = arith.constant 0 : i32
    return %c0_i32, %c0_i32_0 : i32, i32
  }
  func.func @transform_16(%arg0: i32, %arg1: i32) -> (i32, i32, i32) {
    %c0_i32 = arith.constant 0 : i32
    %c0_i32_0 = arith.constant 0 : i32
    return %arg0, %arg1, %c0_i32 : i32, i32, i32
  }
  func.func @transform_17(%arg0: i32, %arg1: i32) -> (i32, i32) {
    %c0_i32 = arith.constant 0 : i32
    %c0_i32_0 = arith.constant 0 : i32
    %c0_i32_1 = arith.constant 0 : i32
    return %c0_i32, %c0_i32_0 : i32, i32
  }
}

module attributes {stable_mosaic.version = 14 : i64} {
  func.func @_pass3_body(%arg0: i32, %arg1: memref<1x1000x16xf32, #tpu.memory_space<vmem>>, %arg2: memref<1x1000x16xf32, #tpu.memory_space<vmem>>, %arg3: memref<1x1x16xf32, #tpu.memory_space<vmem>>, %arg4: memref<1x1x16xf32, #tpu.memory_space<vmem>>, %arg5: memref<1x1000x16xf32, #tpu.memory_space<vmem>>) attributes {dimension_semantics = [#tpu.dimension_semantics<arbitrary>], iteration_bounds = array<i64: 16>, scalar_prefetch = 0 : i64, scratch_operands = 0 : i64, tpu.core_type = #tpu.core_type<tc>, window_params = [{transform_indices = @transform_0, window_bounds = array<i64: 1, 1000, 16>}, {transform_indices = @transform_1, window_bounds = array<i64: 1, 1000, 16>}, {pipeline_mode = #tpu.pipeline_mode<synchronous>, transform_indices = @transform_2, window_bounds = array<i64: 1, 1, 16>}, {pipeline_mode = #tpu.pipeline_mode<synchronous>, transform_indices = @transform_3, window_bounds = array<i64: 1, 1, 16>}, {transform_indices = @transform_4, window_bounds = array<i64: 1, 1000, 16>}]} {
    %get3A = arith.constant 0 : index
    %get3A_0 = arith.constant 0 : index
    %get3A_1 = arith.constant 0 : index
    %get3A_2 = vector.load %arg2[%get3A, %get3A_0, %get3A_1] : memref<1x1000x16xf32, #tpu.memory_space<vmem>>, vector<1x1000x16xf32>
    %get3A_3 = arith.constant 0 : index
    %get3A_4 = arith.constant 0 : index
    %get3A_5 = arith.constant 0 : index
    %get3A_6 = vector.load %arg1[%get3A_3, %get3A_4, %get3A_5] : memref<1x1000x16xf32, #tpu.memory_space<vmem>>, vector<1x1000x16xf32>
    %get3A_7 = arith.constant 0 : index
    %get3A_8 = arith.constant 0 : index
    %get3A_9 = arith.constant 0 : index
    %get3A_10 = vector.load %arg3[%get3A_7, %get3A_8, %get3A_9] : memref<1x1x16xf32, #tpu.memory_space<vmem>>, vector<1x1x16xf32>
    %mul3A = vector.broadcast %get3A_10 : vector<1x1x16xf32> to vector<1x1000x16xf32>
    %mul3A_11 = arith.mulf %get3A_6, %mul3A : vector<1x1000x16xf32>
    %add3A = arith.addf %get3A_2, %mul3A_11 : vector<1x1000x16xf32>
    %get3A_12 = arith.constant 0 : index
    %get3A_13 = arith.constant 0 : index
    %get3A_14 = arith.constant 0 : index
    %get3A_15 = vector.load %arg4[%get3A_12, %get3A_13, %get3A_14] : memref<1x1x16xf32, #tpu.memory_space<vmem>>, vector<1x1x16xf32>
    %add3A_16 = vector.broadcast %get3A_15 : vector<1x1x16xf32> to vector<1x1000x16xf32>
    %add3A_17 = arith.addf %add3A, %add3A_16 : vector<1x1000x16xf32>
    %max3A = arith.constant 0.000000e+00 : f32
    %max3A_18 = vector.broadcast %max3A : f32 to vector<1x1000x16xf32>
    %max3A_19 = arith.maximumf %add3A_17, %max3A_18 : vector<1x1000x16xf32>
    %swap3A = arith.constant 0 : index
    %swap3A_20 = arith.constant 0 : index
    %swap3A_21 = arith.constant 0 : index
    %swap3A_22 = vector.load %arg5[%swap3A, %swap3A_20, %swap3A_21] : memref<1x1000x16xf32, #tpu.memory_space<vmem>>, vector<1x1000x16xf32>
    tpu.vector_store %arg5[%swap3A, %swap3A_20, %swap3A_21], %max3A_19 {strides = array<i32>} : memref<1x1000x16xf32, #tpu.memory_space<vmem>>, vector<1x1000x16xf32>,
    return
  }
  func.func @transform_0(%arg0: i32) -> (i32, i32, i32) {
    %c0_i32 = arith.constant 0 : i32
    %c0_i32_0 = arith.constant 0 : i32
    %c0_i32_1 = arith.constant 0 : i32
    return %arg0, %c0_i32, %c0_i32_0 : i32, i32, i32
  }
  func.func @transform_1(%arg0: i32) -> (i32, i32, i32) {
    %c0_i32 = arith.constant 0 : i32
    %c0_i32_0 = arith.constant 0 : i32
    %c0_i32_1 = arith.constant 0 : i32
    return %arg0, %c0_i32, %c0_i32_0 : i32, i32, i32
  }
  func.func @transform_2(%arg0: i32) -> (i32, i32, i32) {
    %c0_i32 = arith.constant 0 : i32
    %c0_i32_0 = arith.constant 0 : i32
    %c0_i32_1 = arith.constant 0 : i32
    %c0_i32_2 = arith.constant 0 : i32
    return %c0_i32, %c0_i32_0, %c0_i32_1 : i32, i32, i32
  }
  func.func @transform_3(%arg0: i32) -> (i32, i32, i32) {
    %c0_i32 = arith.constant 0 : i32
    %c0_i32_0 = arith.constant 0 : i32
    %c0_i32_1 = arith.constant 0 : i32
    %c0_i32_2 = arith.constant 0 : i32
    return %c0_i32, %c0_i32_0, %c0_i32_1 : i32, i32, i32
  }
  func.func @transform_4(%arg0: i32) -> (i32, i32, i32) {
    %c0_i32 = arith.constant 0 : i32
    %c0_i32_0 = arith.constant 0 : i32
    %c0_i32_1 = arith.constant 0 : i32
    return %arg0, %c0_i32, %c0_i32_0 : i32, i32, i32
  }
}

module attributes {stable_mosaic.version = 14 : i64} {
  func.func @_head_body(%arg0: memref<16x1000x16xf32, #tpu.memory_space<vmem>>, %arg1: memref<16x8xf32, #tpu.memory_space<vmem>>, %arg2: memref<1x8xf32, #tpu.memory_space<vmem>>, %arg3: memref<16x8xf32, #tpu.memory_space<vmem>>) attributes {dimension_semantics = [], scalar_prefetch = 0 : i64, scratch_operands = 0 : i64, tpu.core_type = #tpu.core_type<tc>} {
    %get3A = arith.constant 0 : index
    %get3A_0 = arith.constant 0 : index
    %get3A_1 = arith.constant 0 : index
    %get3A_2 = vector.load %arg0[%get3A, %get3A_0, %get3A_1] : memref<16x1000x16xf32, #tpu.memory_space<vmem>>, vector<1x1000x16xf32>
    %get3A_3 = vector.shape_cast %get3A_2 : vector<1x1000x16xf32> to vector<1000x16xf32>
    %reduce_sum3A = arith.constant dense<0.000000e+00> : vector<16xf32>
    %reduce_sum3A_4 = vector.multi_reduction <add>, %get3A_3, %reduce_sum3A [0] : vector<1000x16xf32> to vector<16xf32>
    %broadcast_in_dim3A = vector.shape_cast %reduce_sum3A_4 : vector<16xf32> to vector<1x16xf32>
    %get3A_5 = arith.constant 1 : index
    %get3A_6 = arith.constant 0 : index
    %get3A_7 = arith.constant 0 : index
    %get3A_8 = vector.load %arg0[%get3A_5, %get3A_6, %get3A_7] : memref<16x1000x16xf32, #tpu.memory_space<vmem>>, vector<1x1000x16xf32>
    %get3A_9 = vector.shape_cast %get3A_8 : vector<1x1000x16xf32> to vector<1000x16xf32>
    %reduce_sum3A_10 = arith.constant dense<0.000000e+00> : vector<16xf32>
    %reduce_sum3A_11 = vector.multi_reduction <add>, %get3A_9, %reduce_sum3A_10 [0] : vector<1000x16xf32> to vector<16xf32>
    %broadcast_in_dim3A_12 = vector.shape_cast %reduce_sum3A_11 : vector<16xf32> to vector<1x16xf32>
    %get3A_13 = arith.constant 2 : index
    %get3A_14 = arith.constant 0 : index
    %get3A_15 = arith.constant 0 : index
    %get3A_16 = vector.load %arg0[%get3A_13, %get3A_14, %get3A_15] : memref<16x1000x16xf32, #tpu.memory_space<vmem>>, vector<1x1000x16xf32>
    %get3A_17 = vector.shape_cast %get3A_16 : vector<1x1000x16xf32> to vector<1000x16xf32>
    %reduce_sum3A_18 = arith.constant dense<0.000000e+00> : vector<16xf32>
    %reduce_sum3A_19 = vector.multi_reduction <add>, %get3A_17, %reduce_sum3A_18 [0] : vector<1000x16xf32> to vector<16xf32>
    %broadcast_in_dim3A_20 = vector.shape_cast %reduce_sum3A_19 : vector<16xf32> to vector<1x16xf32>
    %get3A_21 = arith.constant 3 : index
    %get3A_22 = arith.constant 0 : index
    %get3A_23 = arith.constant 0 : index
    %get3A_24 = vector.load %arg0[%get3A_21, %get3A_22, %get3A_23] : memref<16x1000x16xf32, #tpu.memory_space<vmem>>, vector<1x1000x16xf32>
    %get3A_25 = vector.shape_cast %get3A_24 : vector<1x1000x16xf32> to vector<1000x16xf32>
    %reduce_sum3A_26 = arith.constant dense<0.000000e+00> : vector<16xf32>
    %reduce_sum3A_27 = vector.multi_reduction <add>, %get3A_25, %reduce_sum3A_26 [0] : vector<1000x16xf32> to vector<16xf32>
    %broadcast_in_dim3A_28 = vector.shape_cast %reduce_sum3A_27 : vector<16xf32> to vector<1x16xf32>
    %get3A_29 = arith.constant 4 : index
    %get3A_30 = arith.constant 0 : index
    %get3A_31 = arith.constant 0 : index
    %get3A_32 = vector.load %arg0[%get3A_29, %get3A_30, %get3A_31] : memref<16x1000x16xf32, #tpu.memory_space<vmem>>, vector<1x1000x16xf32>
    %get3A_33 = vector.shape_cast %get3A_32 : vector<1x1000x16xf32> to vector<1000x16xf32>
    %reduce_sum3A_34 = arith.constant dense<0.000000e+00> : vector<16xf32>
    %reduce_sum3A_35 = vector.multi_reduction <add>, %get3A_33, %reduce_sum3A_34 [0] : vector<1000x16xf32> to vector<16xf32>
    %broadcast_in_dim3A_36 = vector.shape_cast %reduce_sum3A_35 : vector<16xf32> to vector<1x16xf32>
    %get3A_37 = arith.constant 5 : index
    %get3A_38 = arith.constant 0 : index
    %get3A_39 = arith.constant 0 : index
    %get3A_40 = vector.load %arg0[%get3A_37, %get3A_38, %get3A_39] : memref<16x1000x16xf32, #tpu.memory_space<vmem>>, vector<1x1000x16xf32>
    %get3A_41 = vector.shape_cast %get3A_40 : vector<1x1000x16xf32> to vector<1000x16xf32>
    %reduce_sum3A_42 = arith.constant dense<0.000000e+00> : vector<16xf32>
    %reduce_sum3A_43 = vector.multi_reduction <add>, %get3A_41, %reduce_sum3A_42 [0] : vector<1000x16xf32> to vector<16xf32>
    %broadcast_in_dim3A_44 = vector.shape_cast %reduce_sum3A_43 : vector<16xf32> to vector<1x16xf32>
    %get3A_45 = arith.constant 6 : index
    %get3A_46 = arith.constant 0 : index
    %get3A_47 = arith.constant 0 : index
    %get3A_48 = vector.load %arg0[%get3A_45, %get3A_46, %get3A_47] : memref<16x1000x16xf32, #tpu.memory_space<vmem>>, vector<1x1000x16xf32>
    %get3A_49 = vector.shape_cast %get3A_48 : vector<1x1000x16xf32> to vector<1000x16xf32>
    %reduce_sum3A_50 = arith.constant dense<0.000000e+00> : vector<16xf32>
    %reduce_sum3A_51 = vector.multi_reduction <add>, %get3A_49, %reduce_sum3A_50 [0] : vector<1000x16xf32> to vector<16xf32>
    %broadcast_in_dim3A_52 = vector.shape_cast %reduce_sum3A_51 : vector<16xf32> to vector<1x16xf32>
    %get3A_53 = arith.constant 7 : index
    %get3A_54 = arith.constant 0 : index
    %get3A_55 = arith.constant 0 : index
    %get3A_56 = vector.load %arg0[%get3A_53, %get3A_54, %get3A_55] : memref<16x1000x16xf32, #tpu.memory_space<vmem>>, vector<1x1000x16xf32>
    %get3A_57 = vector.shape_cast %get3A_56 : vector<1x1000x16xf32> to vector<1000x16xf32>
    %reduce_sum3A_58 = arith.constant dense<0.000000e+00> : vector<16xf32>
    %reduce_sum3A_59 = vector.multi_reduction <add>, %get3A_57, %reduce_sum3A_58 [0] : vector<1000x16xf32> to vector<16xf32>
    %broadcast_in_dim3A_60 = vector.shape_cast %reduce_sum3A_59 : vector<16xf32> to vector<1x16xf32>
    %get3A_61 = arith.constant 8 : index
    %get3A_62 = arith.constant 0 : index
    %get3A_63 = arith.constant 0 : index
    %get3A_64 = vector.load %arg0[%get3A_61, %get3A_62, %get3A_63] : memref<16x1000x16xf32, #tpu.memory_space<vmem>>, vector<1x1000x16xf32>
    %get3A_65 = vector.shape_cast %get3A_64 : vector<1x1000x16xf32> to vector<1000x16xf32>
    %reduce_sum3A_66 = arith.constant dense<0.000000e+00> : vector<16xf32>
    %reduce_sum3A_67 = vector.multi_reduction <add>, %get3A_65, %reduce_sum3A_66 [0] : vector<1000x16xf32> to vector<16xf32>
    %broadcast_in_dim3A_68 = vector.shape_cast %reduce_sum3A_67 : vector<16xf32> to vector<1x16xf32>
    %get3A_69 = arith.constant 9 : index
    %get3A_70 = arith.constant 0 : index
    %get3A_71 = arith.constant 0 : index
    %get3A_72 = vector.load %arg0[%get3A_69, %get3A_70, %get3A_71] : memref<16x1000x16xf32, #tpu.memory_space<vmem>>, vector<1x1000x16xf32>
    %get3A_73 = vector.shape_cast %get3A_72 : vector<1x1000x16xf32> to vector<1000x16xf32>
    %reduce_sum3A_74 = arith.constant dense<0.000000e+00> : vector<16xf32>
    %reduce_sum3A_75 = vector.multi_reduction <add>, %get3A_73, %reduce_sum3A_74 [0] : vector<1000x16xf32> to vector<16xf32>
    %broadcast_in_dim3A_76 = vector.shape_cast %reduce_sum3A_75 : vector<16xf32> to vector<1x16xf32>
    %get3A_77 = arith.constant 10 : index
    %get3A_78 = arith.constant 0 : index
    %get3A_79 = arith.constant 0 : index
    %get3A_80 = vector.load %arg0[%get3A_77, %get3A_78, %get3A_79] : memref<16x1000x16xf32, #tpu.memory_space<vmem>>, vector<1x1000x16xf32>
    %get3A_81 = vector.shape_cast %get3A_80 : vector<1x1000x16xf32> to vector<1000x16xf32>
    %reduce_sum3A_82 = arith.constant dense<0.000000e+00> : vector<16xf32>
    %reduce_sum3A_83 = vector.multi_reduction <add>, %get3A_81, %reduce_sum3A_82 [0] : vector<1000x16xf32> to vector<16xf32>
    %broadcast_in_dim3A_84 = vector.shape_cast %reduce_sum3A_83 : vector<16xf32> to vector<1x16xf32>
    %get3A_85 = arith.constant 11 : index
    %get3A_86 = arith.constant 0 : index
    %get3A_87 = arith.constant 0 : index
    %get3A_88 = vector.load %arg0[%get3A_85, %get3A_86, %get3A_87] : memref<16x1000x16xf32, #tpu.memory_space<vmem>>, vector<1x1000x16xf32>
    %get3A_89 = vector.shape_cast %get3A_88 : vector<1x1000x16xf32> to vector<1000x16xf32>
    %reduce_sum3A_90 = arith.constant dense<0.000000e+00> : vector<16xf32>
    %reduce_sum3A_91 = vector.multi_reduction <add>, %get3A_89, %reduce_sum3A_90 [0] : vector<1000x16xf32> to vector<16xf32>
    %broadcast_in_dim3A_92 = vector.shape_cast %reduce_sum3A_91 : vector<16xf32> to vector<1x16xf32>
    %get3A_93 = arith.constant 12 : index
    %get3A_94 = arith.constant 0 : index
    %get3A_95 = arith.constant 0 : index
    %get3A_96 = vector.load %arg0[%get3A_93, %get3A_94, %get3A_95] : memref<16x1000x16xf32, #tpu.memory_space<vmem>>, vector<1x1000x16xf32>
    %get3A_97 = vector.shape_cast %get3A_96 : vector<1x1000x16xf32> to vector<1000x16xf32>
    %reduce_sum3A_98 = arith.constant dense<0.000000e+00> : vector<16xf32>
    %reduce_sum3A_99 = vector.multi_reduction <add>, %get3A_97, %reduce_sum3A_98 [0] : vector<1000x16xf32> to vector<16xf32>
    %broadcast_in_dim3A_100 = vector.shape_cast %reduce_sum3A_99 : vector<16xf32> to vector<1x16xf32>
    %get3A_101 = arith.constant 13 : index
    %get3A_102 = arith.constant 0 : index
    %get3A_103 = arith.constant 0 : index
    %get3A_104 = vector.load %arg0[%get3A_101, %get3A_102, %get3A_103] : memref<16x1000x16xf32, #tpu.memory_space<vmem>>, vector<1x1000x16xf32>
    %get3A_105 = vector.shape_cast %get3A_104 : vector<1x1000x16xf32> to vector<1000x16xf32>
    %reduce_sum3A_106 = arith.constant dense<0.000000e+00> : vector<16xf32>
    %reduce_sum3A_107 = vector.multi_reduction <add>, %get3A_105, %reduce_sum3A_106 [0] : vector<1000x16xf32> to vector<16xf32>
    %broadcast_in_dim3A_108 = vector.shape_cast %reduce_sum3A_107 : vector<16xf32> to vector<1x16xf32>
    %get3A_109 = arith.constant 14 : index
    %get3A_110 = arith.constant 0 : index
    %get3A_111 = arith.constant 0 : index
    %get3A_112 = vector.load %arg0[%get3A_109, %get3A_110, %get3A_111] : memref<16x1000x16xf32, #tpu.memory_space<vmem>>, vector<1x1000x16xf32>
    %get3A_113 = vector.shape_cast %get3A_112 : vector<1x1000x16xf32> to vector<1000x16xf32>
    %reduce_sum3A_114 = arith.constant dense<0.000000e+00> : vector<16xf32>
    %reduce_sum3A_115 = vector.multi_reduction <add>, %get3A_113, %reduce_sum3A_114 [0] : vector<1000x16xf32> to vector<16xf32>
    %broadcast_in_dim3A_116 = vector.shape_cast %reduce_sum3A_115 : vector<16xf32> to vector<1x16xf32>
    %get3A_117 = arith.constant 15 : index
    %get3A_118 = arith.constant 0 : index
    %get3A_119 = arith.constant 0 : index
    %get3A_120 = vector.load %arg0[%get3A_117, %get3A_118, %get3A_119] : memref<16x1000x16xf32, #tpu.memory_space<vmem>>, vector<1x1000x16xf32>
    %get3A_121 = vector.shape_cast %get3A_120 : vector<1x1000x16xf32> to vector<1000x16xf32>
    %reduce_sum3A_122 = arith.constant dense<0.000000e+00> : vector<16xf32>
    %reduce_sum3A_123 = vector.multi_reduction <add>, %get3A_121, %reduce_sum3A_122 [0] : vector<1000x16xf32> to vector<16xf32>
    %broadcast_in_dim3A_124 = vector.shape_cast %reduce_sum3A_123 : vector<16xf32> to vector<1x16xf32>
    %concatenate3A = tpu.concatenate %broadcast_in_dim3A, %broadcast_in_dim3A_12, %broadcast_in_dim3A_20, %broadcast_in_dim3A_28, %broadcast_in_dim3A_36, %broadcast_in_dim3A_44, %broadcast_in_dim3A_52, %broadcast_in_dim3A_60, %broadcast_in_dim3A_68, %broadcast_in_dim3A_76, %broadcast_in_dim3A_84, %broadcast_in_dim3A_92, %broadcast_in_dim3A_100, %broadcast_in_dim3A_108, %broadcast_in_dim3A_116, %broadcast_in_dim3A_124 in 0 : vector<1x16xf32>, vector<1x16xf32>, vector<1x16xf32>, vector<1x16xf32>, vector<1x16xf32>, vector<1x16xf32>, vector<1x16xf32>, vector<1x16xf32>, vector<1x16xf32>, vector<1x16xf32>, vector<1x16xf32>, vector<1x16xf32>, vector<1x16xf32>, vector<1x16xf32>, vector<1x16xf32>, vector<1x16xf32> -> vector<16x16xf32>
    %mul3A = arith.constant 1.000000e-03 : f32
    %mul3A_125 = vector.broadcast %mul3A : f32 to vector<16x16xf32>
    %mul3A_126 = arith.mulf %concatenate3A, %mul3A_125 : vector<16x16xf32>
    %get3A_127 = arith.constant 0 : index
    %get3A_128 = arith.constant 0 : index
    %get3A_129 = vector.load %arg1[%get3A_127, %get3A_128] : memref<16x8xf32, #tpu.memory_space<vmem>>, vector<16x8xf32>
    %dot_general3A = arith.constant dense<0.000000e+00> : vector<16x8xf32>
    %dot_general3A_130 = tpu.matmul %mul3A_126, %get3A_129, %dot_general3A {dimension_numbers = #tpu.dot_dimension_numbers<[1], [0], [0], [1], [0, 0, 1, 1], [], []>, transpose_lhs_hint = false} : vector<16x16xf32>, vector<16x8xf32>, vector<16x8xf32> -> vector<16x8xf32>
    %get3A_131 = arith.constant 0 : index
    %get3A_132 = arith.constant 0 : index
    %get3A_133 = vector.load %arg2[%get3A_131, %get3A_132] : memref<1x8xf32, #tpu.memory_space<vmem>>, vector<1x8xf32>
    %add3A = vector.broadcast %get3A_133 : vector<1x8xf32> to vector<16x8xf32>
    %add3A_134 = arith.addf %dot_general3A_130, %add3A : vector<16x8xf32>
    %reduce_max3A = arith.constant dense<0xFF800000> : vector<16xf32>
    %reduce_max3A_135 = vector.multi_reduction <maximumf>, %add3A_134, %reduce_max3A [1] : vector<16x8xf32> to vector<16xf32>
    %broadcast_in_dim3A_136 = vector.shape_cast %reduce_max3A_135 : vector<16xf32> to vector<16x1xf32>
    %sub3A = vector.broadcast %broadcast_in_dim3A_136 : vector<16x1xf32> to vector<16x8xf32>
    %sub3A_137 = arith.subf %add3A_134, %sub3A : vector<16x8xf32>
    %exp3A = math.exp %sub3A_137 : vector<16x8xf32>
    %reduce_sum3A_138 = arith.constant dense<0.000000e+00> : vector<16xf32>
    %reduce_sum3A_139 = vector.multi_reduction <add>, %exp3A, %reduce_sum3A_138 [1] : vector<16x8xf32> to vector<16xf32>
    %broadcast_in_dim3A_140 = vector.shape_cast %reduce_sum3A_139 : vector<16xf32> to vector<16x1xf32>
    %div3A = vector.broadcast %broadcast_in_dim3A_140 : vector<16x1xf32> to vector<16x8xf32>
    %div3A_141 = arith.divf %exp3A, %div3A : vector<16x8xf32>
    %swap3A = arith.constant 0 : index
    %swap3A_142 = arith.constant 0 : index
    %swap3A_143 = vector.load %arg3[%swap3A, %swap3A_142] : memref<16x8xf32, #tpu.memory_space<vmem>>, vector<16x8xf32>
    tpu.vector_store %arg3[%swap3A, %swap3A_142], %div3A_141 {strides = array<i32>} : memref<16x8xf32, #tpu.memory_space<vmem>>, vector<16x8xf32>,
    return
  }
}

</mosaic_0001>

<sc_bundles>
// kernel: kernel.11.cloned.1.call-start
scs
__scs_entry_jumppad:
0x0: {  	(pc) =	sbr.rel $0x88, $3  }
0x1: {  	(tag) =	ssettag $0x0;
	lr =	simm.s32 $0x1  }
0x2: {  	[smem:$0x3F91] =	sst lr;
	_ =	strace $0xD0000000  }
0x3: {  	_ = 	snop  }
0x4: {  	_ = 	snop  }
0x5: {  	_ = 	snop  }
0x6: {  	_ = 	snop  }
0x7: {  	_ = 	snop  }
__scs_overlays_trampoline_lowered:
0x8: {  	[smem:$0x3FA0] =	sst s0  }
0x9: {  	[smem:$0x3FA1] =	sst s1  }
0xa: {  	[smem:$0x3FA2] =	sst s2  }
0xb: {  	[smem:$0x3FA3] =	sst s3  }
0xc: {  	[smem:$0x3FA4] =	sst s4  }
0xd: {  	[smem:$0x3FA5] =	sst s5  }
0xe: {  	[smem:$0x3FA6] =	sst s6  }
0xf: {  	[smem:$0x3FA7] =	sst s7  }
0x10: {  	[smem:$0x3FA8] =	sst s8  }
0x11: {  	[smem:$0x3FA9] =	sst s9;
	s0 =	simm.s32 @!p0 $0x0  }
0x12: {  	s1 =	sld [smem:$0x3F8F];
	s0 =	simm.s32 @p0 $0x1  }
0x13: {  	[smem:$0x3FAA] =	sst s0;
	s0 =	simm.s32 @!p1 $0x0  }
0x14: {  	s2 =	sld [smem:$0x3F8E];
	s0 =	simm.s32 @p1 $0x1  }
0x15: {  	[smem:$0x3FAB] =	sst s0;
	s0 =	simm.s32 @!p2 $0x0  }
0x16: {  	s3 =	sld [smem:$0x3FDB];
	s0 =	simm.s32 @p2 $0x1  }
0x17: {  	s4 =	simm.s32 $0x1BF5;
	[smem:$0x3FAD] =	sst s0  }
0x18: {  	s0 =	sld [smem:$0x3F90];
	_ =	swait.ge [sflag:s4], $0x0  }
0x19: {  	s7 =	sld [smem:$0x3F91]  }
0x1a: {  	s8 =	sadd.s32 $0xFFFFE003, lr  }
0x1b: {  	s9 =	sadd.s32 $0xFFFFFEF7, lr;
	s5 =	simm.s32 $0xFFFFFFFF;
	p2 =	slt.u32 s8, $0xFFFFF086  }
0x1c: {  	p1 =	slt.u32 s9, $0xF7A;
	s5 =	simm.s32 @!p2 $0x0  }
0x1d: {  	s5 =	simm.s32 @p1 $0x1;
	p0 =	seq.s32 s7, s2  }
0x1e: {  	s7 =	smul.u32 @!p0 $0xF7A, s2;
	p2 =	seq.s32 @!p0 s5, $0x0  }
0x1f: {  	s9 =	smul.u32 $0xF7A, s1;
	s8 =	simm.s32 @!p0 $0x1BF5;
	p2 =	por !p2, p0  }
0x20: {  	[sflag:s8] =	ssyncset.s32 @!p0 $0xFFFFF086;
	s6 =	sadd.s32 @!p0 s3, s7;
	s7 =	simm.s32 @!p0 $0x108  }
0x21: {  	s3 =	sadd.s32 s3, s9;
	s6 =	sadd.s32 @!p0 $0x88, s6;
	s7 =	simm.s32 @p2 $0x1082  }
0x22: {  	[simem:s7], [sflag:s8] =	dma.local @!p0 [hbm:s6], $0xF7A  }
0x23: {  	s9 =	sor.u32 $0xD0000000, s2;
	s6 =	simm.s32 $0x108;
	_ =	swait.ge @!p0 [sflag:s8], $0x0  }
0x24: {  	s3 =	sadd.s32 $0x88, s3;
	s6 =	simm.s32 @!p1 $0x1082;
	[sflag:s4] =	ssyncset.s32 $0xFFFFF086  }
0x25: {  	[simem:s6], [sflag:s4] =	dma.local [hbm:s3], $0xF7A  }
0x26: {  	[smem:$0x3F91] =	sst s1;
	(tag) =	ssettag s2;
	_ =	strace s9  }
0x27: {  	s1 =	sld [smem:$0x3FA1]  }
0x28: {  	s2 =	sld [smem:$0x3FA2]  }
0x29: {  	s4 =	sld [smem:$0x3FA4]  }
0x2a: {  	p0 =	seq.s32 s5, $0x0;
	s5 =	sld [smem:$0x3FA5]  }
0x2b: {  	s6 =	sld [smem:$0x3FA6]  }
0x2c: {  	s7 =	sld [smem:$0x3FA7]  }
0x2d: {  	s3 =	simm.s32 $0x108;
	s8 =	sld [smem:$0x3FA8]  }
0x2e: {  	s3 =	simm.s32 @!p0 $0x1082;
	s9 =	sld [smem:$0x3FA9]  }
0x2f: {  	lr =	sadd.s32 s0, s3;
	s0 =	sld [smem:$0x3FA0]  }
0x30: {  	s3 =	sld [smem:$0x3FA3]  }
0x31: {  	[smem:$0x3FAC] =	sst s10  }
0x32: {  	s10 =	sld [smem:$0x3FAA];
	_ =	sdelay $0x3  }
0x33: {  	p0 =	seq.s32 s10, $0x1;
	s10 =	sld [smem:$0x3FAC];
	_ =	sdelay $0x3  }
0x34: {  	[smem:$0x3FAC] =	sst s10  }
0x35: {  	s10 =	sld [smem:$0x3FAB];
	_ =	sdelay $0x3  }
0x36: {  	p1 =	seq.s32 s10, $0x1;
	s10 =	sld [smem:$0x3FAC];
	_ =	sdelay $0x3  }
0x37: {  	[smem:$0x3FAC] =	sst s10  }
0x38: {  	s10 =	sld [smem:$0x3FAD]  }
0x39: {  	_ = 	snop;
	(pc) =	sbr.ind lr, $3  }
0x3a: {  	_ = 	snop  }
0x3b: {  	_ = 	snop  }
0x3c: {  	p2 =	seq.s32 s10, $0x1;
	s10 =	sld [smem:$0x3FAC]  }
0x3d: {  	_ =	shalt  }
0x3e: {  	_ =	shalt  }
0x3f: {  	_ =	shalt  }
0x40: {  	_ =	shalt  }
0x41: {  	_ =	shalt  }
0x42: {  	_ =	shalt  }
0x43: {  	_ =	shalt  }
0x44: {  	_ =	shalt  }
0x45: {  	_ =	shalt  }
0x46: {  	_ =	shalt  }
0x47: {  	_ =	shalt  }
0x48: {  	_ =	shalt  }
0x49: {  	_ =	shalt  }
0x4a: {  	_ =	shalt  }
0x4b: {  	_ =	shalt  }
0x4c: {  	_ =	shalt  }
0x4d: {  	_ =	shalt  }
0x4e: {  	_ =	shalt  }
0x4f: {  	_ =	shalt  }
0x50: {  	_ =	shalt  }
0x51: {  	_ =	shalt  }
0x52: {  	_ =	shalt  }
0x53: {  	_ =	shalt  }
0x54: {  	_ =	shalt  }
0x55: {  	_ =	shalt  }
0x56: {  	_ =	shalt  }
0x57: {  	_ =	shalt  }
0x58: {  	_ =	shalt  }
0x59: {  	_ =	shalt  }
0x5a: {  	_ =	shalt  }
0x5b: {  	_ =	shalt  }
0x5c: {  	_ =	shalt  }
0x5d: {  	_ =	shalt  }
0x5e: {  	_ =	shalt  }
0x5f: {  	_ =	shalt  }
0x60: {  	_ =	shalt  }
0x61: {  	_ =	shalt  }
0x62: {  	_ =	shalt  }
0x63: {  	_ =	shalt  }
0x64: {  	_ =	shalt  }
0x65: {  	_ =	shalt  }
0x66: {  	_ =	shalt  }
0x67: {  	_ =	shalt  }
0x68: {  	_ =	shalt  }
0x69: {  	_ =	shalt  }
0x6a: {  	_ =	shalt  }
0x6b: {  	_ =	shalt  }
0x6c: {  	_ =	shalt  }
0x6d: {  	_ =	shalt  }
0x6e: {  	_ =	shalt  }
0x6f: {  	_ =	shalt  }
0x70: {  	_ =	shalt  }
0x71: {  	_ =	shalt  }
0x72: {  	_ =	shalt  }
0x73: {  	_ =	shalt  }
0x74: {  	_ =	shalt  }
0x75: {  	_ =	shalt  }
0x76: {  	_ =	shalt  }
0x77: {  	_ =	shalt  }
0x78: {  	_ =	shalt  }
0x79: {  	_ =	shalt  }
0x7a: {  	_ =	shalt  }
0x7b: {  	_ =	shalt  }
0x7c: {  	_ =	shalt  }
0x7d: {  	_ =	shalt  }
0x7e: {  	_ =	shalt  }
0x7f: {  	_ =	shalt  }
0x80: {  	_ =	shalt  }
0x81: {  	_ =	shalt  }
0x82: {  	_ =	shalt  }
0x83: {  	_ =	shalt  }
0x84: {  	_ =	shalt  }
0x85: {  	_ =	shalt  }
0x86: {  	_ =	shalt  }
0x87: {  	_ =	shalt  }
.Lfunc_end0:
.L_simem_size_0:
called_computation_lowered:
.L_overlay_start_0:
0x88: {  	s2 =	sld [smem:$0x3FD9]  }
0x89: {  	s3 =	sld [smem:$0x3FFE];
	_ =	sdelay $0x1  }
0x8a: {  	s1 =	srdreg.scid  }
0x8b: {  	s0 =	sand.u32 $0x1, s1  }
0x8c: {  	s16 =	sshll.u32 s0, $0xA;
	s2 =	sadd.s32 s3, s2  }
0x8d: {  	s2 =	sadd.s32 s2, s16  }
0x8e: {  	[smem:$0x3FB8] =	sst s2  }
0x8f: {  	_ = 	snop  }
0x90: {  	(tm) =	ssettm $0x1  }
0x91: {  	s17 =	sld [smem:$0x3FFB];
	_ =	sdelay $0x3  }
0x92: {  	_ =	strace s17  }
0x93: {  	s2 =	sld [smem:$0x3FFC];
	_ =	sdelay $0x3  }
0x94: {  	_ =	strace s2  }
0x95: {  	s2 =	sld [smem:$0x3FFD];
	_ =	sdelay $0x3  }
0x96: {  	_ =	strace s2  }
0x97: {  	_ =	strace $0x8FFFFFFF  }
0x98: {  	s18 =	sld [smem:$0x3FDB];
	_ =	sdelay $0x1  }
0x99: {  	s19 =	simm.s32 $_scs_section_size  }
0x9a: {  	s4 =	simm.s32 $_size__tile_overlayer_lowered;
	s5 =	simm.s32 $_tile_overlayer_lowered  }
0x9b: {  	s22 =	simm.s32 $0x1BFF;
	s21 =	sshll.u32 s5, $0x1;
	s2 =	sadd.s32 s19, s18  }
0x9c: {  	s6 =	simm.s32 $0x0;
	s20 =	sshll.u32 s4, $0x1;
	s4 =	sadd.s32 s21, s2  }
0x9d: {  	[timem:s6], [sflag:s22] =	dma.local [hbm:s4], s20  }
0x9e: {  	_ =	swait.ge [sflag:s22], s20  }
0x9f: {  	s3 =	ssub.s32 $0x0, s20;
	[sflag:s22] =	ssyncset.done $0x0  }
0xa0: {  	[sflag:s22] =	ssyncadd.s32 s3;
	_ =	sdelay $0x1  }
0xa1: {  	s23 =	simm.s32 $0x1B8B  }
0xa2: {  	_ =	swait.ge [sflag:s23], $0x1  }
0xa3: {  	[sflag:s23] =	ssyncset.done $0x0  }
0xa4: {  	s25 =	simm.s32 $0x1B8E;
	s24 =	sld [smem:$0x3FFE];
	[sflag:s23] =	ssyncadd.s32 $0xFFFFFFFF  }
0xa5: {  	s26 =	simm.s32 $execute0_lowered;
	[smem:$0x3FD2] =	sst s25  }
0xa6: {  	s4 =	sshll.u32 s26, $0x1;
	_ =	strace $0x80000046;
	[dreg:$0x1] =	wrdreg $0xFFFFFFFF  }
0xa7: {  	s28 =	simm.s32 $_size_execute0_lowered;
	s2 =	sadd.s32 s2, s4;
	[dreg:$0x0] =	wrdreg $0x0  }
0xa8: {  	s4 =	sshll.u32 s28, $0x1;
	[dreg:$0x2] =	wrdreg s2  }
0xa9: {  	[dreg:$0x3] =	wrdreg s4  }
0xaa: {  	[dreg:$0x4] =	wrdreg $0xC0  }
0xab: {  	_ =	task [dreg:s6], $0x5FFFF  }
0xac: {  	[dreg:$0x1] =	wrdreg $0xFFFFFFFF  }
0xad: {  	[dreg:$0x0] =	wrdreg $0x60  }
0xae: {  	[dreg:$0x2] =	wrdreg s24  }
0xaf: {  	[dreg:$0x3] =	wrdreg $0x9  }
0xb0: {  	_ =	task.clear_ibuf [dreg:s6], $0x4FFFF;
	_ =	strace $0x90000046  }
0xb1: {  	s29 =	simm.s32 $0x9;
	_ =	strace $0x80000048  }
0xb2: {  	_ =	swait.ge [sflag:s29], $0x1  }
0xb3: {  	[sflag:s29] =	ssyncadd.s32 $0xFFFFFFFF  }
0xb4: {  	_ =	strace $0x90000048  }
0xb5: {  	_ =	sfence  }
0xb6: {  	s30 =	sld [smem:$0x0];
	_ =	sdelay $0x2  }
0xb7: {  	s31 =	sshll.u32 s1, $0xD;
	s1 =	sshrl.u32 s1, $0x2  }
0xb8: {  	s3 =	sand.u32 $0x4000, s31;
	s1 =	sadd.s32 s1, s30  }
0xb9: {  	s0 =	sor.u32 s3, s0;
	s1 =	sshll.u32 s1, $0x11  }
0xba: {  	s0 =	sor.u32 s1, s0  }
0xbb: {  	s0 =	sadd.s32 $0x8F2B, s0  }
0xbc: {  	[sflag:s0] =	ssyncadd.remote.s32 $0x1  }
0xbd: {  	_ =	sfence.sel $0xFFFF  }
0xbe: {  	[dreg:$0x0] =	wrdreg $0xFFFFFFFF;
	(pc) =	sbr.abs _section_cstart, $3  }
0xbf: {  	[dreg:$0x1] =	wrdreg $0xFFFFFFFF  }
0xc0: {  	_ =	task.clear_ibuf [dreg:s6], $0x2FFFF;
	_ =	strace $0x9FFFFFFF  }
0xc1: {  	(tm) =	ssettm $0x7FFFFFFF  }
tec
execute0_lowered:
.L_overlay_start_1:
0x0: {  	(tag) =	ssettag $0x1  }
0x1: {  	s1 =	srdreg.scid  }
0x2: {  	s0 =	stileid.u32;
	s4 =	rddreg [dreg:$0x0];
	s2 =	simm.s32 $0x0  }
0x3: {  	s12 =	simm.s32 $0x3;
	s13 =	simm.s32 $0x80;
	s14 =	simm.s32 $0x3E80  }
0x4: {  	s15 =	simm.s32 $0x4680;
	s16 =	simm.s32 $0x100;
	s17 =	simm.s32 $0x4E80  }
0x5: {  	s18 =	simm.s32 $0x180;
	s19 =	simm.s32 $0x5680;
	s20 =	simm.s32 $0x200  }
0x6: {  	s21 =	simm.s32 $0x5E80;
	s22 =	simm.s32 $0x1;
	s23 =	simm.s32 $0x2  }
0x7: {  	s24 =	simm.s32 $0x0;
	s6 =	sand.u32 $0x1, s1;
	s3 =	sshll.u32 s0, $0x1  }
0x8: {  	s1 =	rddreg [dreg:$0x1];
	s31 =	smul.u32 $0xFA00, s0;
	s5 =	sor.u32 s6, s3  }
0x9: {  	[smem:$0x7FF] =	sst s2;
	s10 =	sadd.s32 $0x19200, s4;
	s7 =	smul.u32 $0x7D0, s5  }
0xa: {  	_ =	strace $0x80000047;
	s8 =	ssub.s32 $0x2, s6;
	s5 =	smul.u32 $0x7D00, s5  }
0xb: {  	s3 =	sadd.s32 $0x18A00, s4;
	s11 =	smul.u32 $0x7D00, s6;
	s9 =	sshrl.u32 s8, $0x1  }
0xc: {  	s8 =	ssub.s32 s8, s9;
	s7 =	sadd.s32 s7, s4;
	s5 =	sadd.s32 s10, s5  }
0xd: {  	s6 =	smax.u32 s8, $0x1;
	s10 =	sadd.s32 s31, s10;
	s4 =	sadd.s32 $0x5000, s7  }
0xe: {  	s7 =	sadd.s32 $0x100, s5;
	s8 =	sadd.s32 $0x200, s5;
	s11 =	sadd.s32 s11, s10  }
0xf: {  	s9 =	sadd.s32 $0x300, s5;
	s10 =	sadd.s32 $0x400, s5;
	s11 =	sadd.s32 $0x500, s11  }
.LBB2_1:
0x10: {  	[tilespmem:s2], [sflag:$0x3] =	stream.linear.gather [hbm4b:s4+s2], $0x3E80, $0x38;
	[tilespmem:$0x6680] =	vst v63  }
0x11: {  	_ =	swait.ge [sflag:s12], $0x3E80  }
0x12: {  	[sflag:s12] =	ssyncset.done $0x0  }
0x13: {  	[sflag:s12] =	ssyncadd.s32 $0xFFFFC180  }
0x14: {  	[tilespmem:s14], [sflag:$0x1] =	stream.indirect.gather [hbm4b:s3+s13], $0x10, s2, s13, $0xb8;
	[tilespmem:$0x6680] =	vst v63  }
0x15: {  	_ = 	snop  }
0x16: {  	[tilespmem:s15], [sflag:$0x1] =	stream.indirect.gather [hbm4b:s3+s13], $0x10, s13, s13, $0xb8;
	[tilespmem:$0x6680] =	vst v63  }
0x17: {  	_ = 	snop  }
0x18: {  	[tilespmem:s17], [sflag:$0x1] =	stream.indirect.gather [hbm4b:s3+s13], $0x10, s16, s13, $0xb8;
	[tilespmem:$0x6680] =	vst v63  }
0x19: {  	_ = 	snop  }
0x1a: {  	[tilespmem:s19], [sflag:$0x1] =	stream.indirect.gather [hbm4b:s3+s13], $0x10, s18, s13, $0xb8;
	[tilespmem:$0x6680] =	vst v63  }
0x1b: {  	_ = 	snop  }
0x1c: {  	[tilespmem:s21], [sflag:$0x1] =	stream.indirect.gather [hbm4b:s3+s13], $0x10, s20, s13, $0xb8;
	[tilespmem:$0x6680] =	vst v63  }
0x1d: {  	_ =	swait.ge [sflag:s22], $0x800  }
0x1e: {  	[sflag:s22] =	ssyncset.done $0x0  }
0x1f: {  	[sflag:s22] =	ssyncadd.s32 $0xFFFFF800  }
0x20: {  	[hbm4b:s5+s2] =	stream.linear.scatter [tilespmem:s14], [sflag:$0x2], $0x800, $0x38;
	[tilespmem:$0x6680] =	vst v63  }
0x21: {  	_ =	swait.ge [sflag:s22], $0x800  }
0x22: {  	[sflag:s22] =	ssyncset.done $0x0  }
0x23: {  	[sflag:s22] =	ssyncadd.s32 $0xFFFFF800  }
0x24: {  	[hbm4b:s7+s2] =	stream.linear.scatter [tilespmem:s15], [sflag:$0x2], $0x800, $0x38;
	[tilespmem:$0x6680] =	vst v63  }
0x25: {  	_ =	swait.ge [sflag:s22], $0x800  }
0x26: {  	[sflag:s22] =	ssyncset.done $0x0  }
0x27: {  	[sflag:s22] =	ssyncadd.s32 $0xFFFFF800  }
0x28: {  	[hbm4b:s8+s2] =	stream.linear.scatter [tilespmem:s17], [sflag:$0x2], $0x800, $0x38;
	[tilespmem:$0x6680] =	vst v63  }
0x29: {  	_ =	swait.ge [sflag:s22], $0x800  }
0x2a: {  	[sflag:s22] =	ssyncset.done $0x0  }
0x2b: {  	[sflag:s22] =	ssyncadd.s32 $0xFFFFF800  }
0x2c: {  	[hbm4b:s9+s2] =	stream.linear.scatter [tilespmem:s19], [sflag:$0x2], $0x800, $0x38;
	[tilespmem:$0x6680] =	vst v63  }
0x2d: {  	_ =	swait.ge [sflag:s22], $0x800  }
0x2e: {  	[sflag:s22] =	ssyncset.done $0x0  }
0x2f: {  	[sflag:s22] =	ssyncadd.s32 $0xFFFFF800  }
0x30: {  	[hbm4b:s10+s2] =	stream.linear.scatter [tilespmem:s21], [sflag:$0x2], $0x800, $0x38;
	[tilespmem:$0x6680] =	vst v63  }
0x31: {  	_ =	swait.ge [sflag:s23], $0x800  }
0x32: {  	[sflag:s23] =	ssyncset.done $0x0  }
0x33: {  	[sflag:s23] =	ssyncadd.s32 $0xFFFFF800  }
0x34: {  	_ =	swait.ge [sflag:s23], $0x800  }
0x35: {  	[sflag:s23] =	ssyncset.done $0x0  }
0x36: {  	[sflag:s23] =	ssyncadd.s32 $0xFFFFF800  }
0x37: {  	_ =	swait.ge [sflag:s23], $0x800  }
0x38: {  	[sflag:s23] =	ssyncset.done $0x0  }
0x39: {  	[sflag:s23] =	ssyncadd.s32 $0xFFFFF800  }
0x3a: {  	_ =	swait.ge [sflag:s23], $0x800  }
0x3b: {  	[sflag:s23] =	ssyncset.done $0x0  }
0x3c: {  	[sflag:s23] =	ssyncadd.s32 $0xFFFFF800  }
0x3d: {  	_ =	swait.ge [sflag:s23], $0x800  }
0x3e: {  	[sflag:s23] =	ssyncset.done $0x0  }
0x3f: {  	s25 =	simm.s32 $0x280;
	[sflag:s23] =	ssyncadd.s32 $0xFFFFF800  }
0x40: {  	[tilespmem:s14], [sflag:$0x1] =	stream.indirect.gather [hbm4b:s3+s13], $0x10, s25, s13, $0xb8;
	[tilespmem:$0x6680] =	vst v63  }
0x41: {  	s29 =	simm.s32 $0x300  }
0x42: {  	[tilespmem:s15], [sflag:$0x1] =	stream.indirect.gather [hbm4b:s3+s13], $0x10, s29, s13, $0xb8;
	[tilespmem:$0x6680] =	vst v63  }
0x43: {  	s30 =	simm.s32 $0x380  }
0x44: {  	[tilespmem:s17], [sflag:$0x1] =	stream.indirect.gather [hbm4b:s3+s13], $0x10, s30, s13, $0xb8;
	[tilespmem:$0x6680] =	vst v63  }
0x45: {  	s31 =	simm.s32 $0x400  }
0x46: {  	[tilespmem:s19], [sflag:$0x1] =	stream.indirect.gather [hbm4b:s3+s13], $0x10, s31, s13, $0xb8;
	[tilespmem:$0x6680] =	vst v63  }
0x47: {  	s26 =	simm.s32 $0x480  }
0x48: {  	[tilespmem:s21], [sflag:$0x1] =	stream.indirect.gather [hbm4b:s3+s13], $0x10, s26, s13, $0xb8;
	[tilespmem:$0x6680] =	vst v63  }
0x49: {  	_ =	swait.ge [sflag:s22], $0x800  }
0x4a: {  	[sflag:s22] =	ssyncset.done $0x0  }
0x4b: {  	[sflag:s22] =	ssyncadd.s32 $0xFFFFF800  }
0x4c: {  	[hbm4b:s11+s2] =	stream.linear.scatter [tilespmem:s14], [sflag:$0x2], $0x800, $0x38;
	[tilespmem:$0x6680] =	vst v63  }
0x4d: {  	_ =	swait.ge [sflag:s22], $0x800  }
0x4e: {  	[sflag:s22] =	ssyncset.done $0x0  }
0x4f: {  	s29 =	sadd.s32 $0x100, s11;
	[sflag:s22] =	ssyncadd.s32 $0xFFFFF800  }
0x50: {  	[hbm4b:s29+s2] =	stream.linear.scatter [tilespmem:s15], [sflag:$0x2], $0x800, $0x38;
	[tilespmem:$0x6680] =	vst v63  }
0x51: {  	_ =	swait.ge [sflag:s22], $0x800  }
0x52: {  	[sflag:s22] =	ssyncset.done $0x0  }
0x53: {  	s30 =	sadd.s32 $0x200, s11;
	[sflag:s22] =	ssyncadd.s32 $0xFFFFF800  }
0x54: {  	[hbm4b:s30+s2] =	stream.linear.scatter [tilespmem:s17], [sflag:$0x2], $0x800, $0x38;
	[tilespmem:$0x6680] =	vst v63  }
0x55: {  	_ =	swait.ge [sflag:s22], $0x800  }
0x56: {  	[sflag:s22] =	ssyncset.done $0x0  }
0x57: {  	s31 =	sadd.s32 $0x300, s11;
	[sflag:s22] =	ssyncadd.s32 $0xFFFFF800  }
0x58: {  	[hbm4b:s31+s2] =	stream.linear.scatter [tilespmem:s19], [sflag:$0x2], $0x800, $0x38;
	[tilespmem:$0x6680] =	vst v63  }
0x59: {  	_ =	swait.ge [sflag:s22], $0x800  }
0x5a: {  	s28 =	sadd.s32 $0x400, s11;
	[sflag:s22] =	ssyncset.done $0x0  }
0x5b: {  	s25 =	simm.s32 $0xA00;
	s26 =	sadd.s32 $0x500, s11;
	[sflag:s22] =	ssyncadd.s32 $0xFFFFF800  }
.LBB2_2:
0x5c: {  	[hbm4b:s28+s2] =	stream.linear.scatter [tilespmem:s21], [sflag:$0x2], $0x800, $0x38;
	[tilespmem:$0x6680] =	vst v63  }
0x5d: {  	s28 =	smov.u32 s25  }
0x5e: {  	p0 =	sne.s32 s25, $0xE600;
	s25 =	sadd.s32 $0xA00, s25;
	_ =	swait.ge [sflag:s23], $0x800  }
0x5f: {  	[sflag:s23] =	ssyncset.done $0x0  }
0x60: {  	[sflag:s23] =	ssyncadd.s32 $0xFFFFF800  }
0x61: {  	_ =	swait.ge [sflag:s23], $0x800  }
0x62: {  	[sflag:s23] =	ssyncset.done $0x0  }
0x63: {  	[sflag:s23] =	ssyncadd.s32 $0xFFFFF800  }
0x64: {  	_ =	swait.ge [sflag:s23], $0x800  }
0x65: {  	[sflag:s23] =	ssyncset.done $0x0  }
0x66: {  	[sflag:s23] =	ssyncadd.s32 $0xFFFFF800  }
0x67: {  	_ =	swait.ge [sflag:s23], $0x800  }
0x68: {  	[sflag:s23] =	ssyncset.done $0x0  }
0x69: {  	[sflag:s23] =	ssyncadd.s32 $0xFFFFF800  }
0x6a: {  	_ =	swait.ge [sflag:s23], $0x800  }
0x6b: {  	s28 =	sshra.s32 s28, $0x2;
	[sflag:s23] =	ssyncset.done $0x0  }
0x6c: {  	s29 =	sadd.s32 $0x280, s28;
	[sflag:s23] =	ssyncadd.s32 $0xFFFFF800  }
0x6d: {  	[tilespmem:s14], [sflag:$0x1] =	stream.indirect.gather [hbm4b:s3+s13], $0x10, s29, s13, $0xb8;
	[tilespmem:$0x6680] =	vst v63  }
0x6e: {  	s29 =	sadd.s32 $0x300, s28  }
0x6f: {  	[tilespmem:s15], [sflag:$0x1] =	stream.indirect.gather [hbm4b:s3+s13], $0x10, s29, s13, $0xb8;
	[tilespmem:$0x6680] =	vst v63  }
0x70: {  	s29 =	sadd.s32 $0x380, s28  }
0x71: {  	[tilespmem:s17], [sflag:$0x1] =	stream.indirect.gather [hbm4b:s3+s13], $0x10, s29, s13, $0xb8;
	[tilespmem:$0x6680] =	vst v63  }
0x72: {  	s29 =	sadd.s32 $0x400, s28  }
0x73: {  	[tilespmem:s19], [sflag:$0x1] =	stream.indirect.gather [hbm4b:s3+s13], $0x10, s29, s13, $0xb8;
	[tilespmem:$0x6680] =	vst v63  }
0x74: {  	s28 =	sadd.s32 $0x480, s28  }
0x75: {  	[tilespmem:s21], [sflag:$0x1] =	stream.indirect.gather [hbm4b:s3+s13], $0x10, s28, s13, $0xb8;
	[tilespmem:$0x6680] =	vst v63  }
0x76: {  	_ =	swait.ge [sflag:s22], $0x800  }
0x77: {  	[sflag:s22] =	ssyncset.done $0x0  }
0x78: {  	[sflag:s22] =	ssyncadd.s32 $0xFFFFF800  }
0x79: {  	[hbm4b:s26+s2] =	stream.linear.scatter [tilespmem:s14], [sflag:$0x2], $0x800, $0x38;
	[tilespmem:$0x6680] =	vst v63  }
0x7a: {  	_ =	swait.ge [sflag:s22], $0x800  }
0x7b: {  	[sflag:s22] =	ssyncset.done $0x0  }
0x7c: {  	s28 =	sadd.s32 $0x100, s26;
	[sflag:s22] =	ssyncadd.s32 $0xFFFFF800  }
0x7d: {  	[hbm4b:s28+s2] =	stream.linear.scatter [tilespmem:s15], [sflag:$0x2], $0x800, $0x38;
	[tilespmem:$0x6680] =	vst v63  }
0x7e: {  	_ =	swait.ge [sflag:s22], $0x800  }
0x7f: {  	[sflag:s22] =	ssyncset.done $0x0  }
0x80: {  	s28 =	sadd.s32 $0x200, s26;
	[sflag:s22] =	ssyncadd.s32 $0xFFFFF800  }
0x81: {  	[hbm4b:s28+s2] =	stream.linear.scatter [tilespmem:s17], [sflag:$0x2], $0x800, $0x38;
	[tilespmem:$0x6680] =	vst v63  }
0x82: {  	_ =	swait.ge [sflag:s22], $0x800  }
0x83: {  	[sflag:s22] =	ssyncset.done $0x0  }
.Ltmp0:
0x84: {  	s28 =	sadd.s32 $0x300, s26;
	[sflag:s22] =	ssyncadd.s32 $0xFFFFF800;
	(pc) =	sbr.rel @p0 .LBB2_2-.Ltmp0, $4  }
0x85: {  	[hbm4b:s28+s2] =	stream.linear.scatter [tilespmem:s19], [sflag:$0x2], $0x800, $0x38;
	[tilespmem:$0x6680] =	vst v63  }
0x86: {  	_ =	swait.ge [sflag:s22], $0x800  }
0x87: {  	[sflag:s22] =	ssyncset.done $0x0  }
0x88: {  	s28 =	sadd.s32 $0x400, s26;
	s26 =	sadd.s32 $0x500, s26;
	[sflag:s22] =	ssyncadd.s32 $0xFFFFF800  }
0x89: {  	[hbm4b:s28+s2] =	stream.linear.scatter [tilespmem:s21], [sflag:$0x2], $0x800, $0x38;
	[tilespmem:$0x6680] =	vst v63  }
0x8a: {  	_ =	swait.ge [sflag:s23], $0x800  }
0x8b: {  	[sflag:s23] =	ssyncset.done $0x0  }
0x8c: {  	[sflag:s23] =	ssyncadd.s32 $0xFFFFF800  }
0x8d: {  	_ =	swait.ge [sflag:s23], $0x800  }
0x8e: {  	[sflag:s23] =	ssyncset.done $0x0  }
0x8f: {  	[sflag:s23] =	ssyncadd.s32 $0xFFFFF800  }
0x90: {  	_ =	swait.ge [sflag:s23], $0x800  }
0x91: {  	[sflag:s23] =	ssyncset.done $0x0  }
0x92: {  	s24 =	sadd.s32 $0x1, s24;
	[sflag:s23] =	ssyncadd.s32 $0xFFFFF800  }
0x93: {  	p0 =	sne.s32 s24, s6;
	_ =	swait.ge [sflag:s23], $0x800  }
.Ltmp1:
0x94: {  	[sflag:s23] =	ssyncset.done $0x0;
	(pc) =	sbr.rel @p0 .LBB2_1-.Ltmp1, $4  }
0x95: {  	[sflag:s23] =	ssyncadd.s32 $0xFFFFF800  }
0x96: {  	_ =	swait.ge [sflag:s23], $0x800  }
0x97: {  	[sflag:s23] =	ssyncset.done $0x0  }
0x98: {  	[sflag:s23] =	ssyncadd.s32 $0xFFFFF800  }
0x99: {  	_ =	sfence.sel $0x180000  }
0x9a: {  	[bflag:$0x0] =	sbarrier.arrive $0xFFFF  }
0x9b: {  	p0 =	sne.s32 s0, $0x0;
	_ =	strace $0x90000047  }
0x9c: {  	s0 =	sadd.s32 @!p0 $0x100000, s1;
	[bflag:$0x2] =	sbarrier.arrive $0xFFFF  }
0x9d: {  	[sflag:s0] =	ssyncadd.tile.s32 @!p0 $0x1;
	_ =	shalt  }
.Lfunc_end2:
_tile_overlayer_lowered:
.L_overlay_start_2:
0x9e: {  	(tag) =	ssettag $0x2  }
0x9f: {  	s0 =	rddreg [dreg:$0x0];
	s2 =	stileid.u32  }
0xa0: {  	s1 =	rddreg [dreg:$0x1];
	p0 =	sne.s32 s2, $0x0  }
0xa1: {  	s3 =	rddreg [dreg:$0x2];
	[bflag:$0x3] =	sbarrier.arrive $0xFFFF;
	s2 =	simm.s32 @!p0 $0x1C03  }
0xa2: {  	[timem:s3], [sflag:s2] =	dma.local @!p0 [hbm:s0], s1  }
0xa3: {  	s0 =	simm.s32 @!p0 $0x3  }
0xa4: {  	_ =	swait.ge @!p0 [sflag:s0], s1  }
0xa5: {  	s1 =	ssub.s32 @!p0 $0x0, s1;
	[sflag:s0] =	ssyncset.done @!p0 $0x0  }
0xa6: {  	[sflag:s0] =	ssyncadd.s32 @!p0 s1  }
0xa7: {  	[bflag:$0x3] =	sbarrier.arrive $0xFFFF  }
0xa8: {  	_ =	shalt  }

// kernel: kernel.14.cloned.1.call-start
scs
__scs_entry_jumppad:
0x0: {  	(pc) =	sbr.rel $0x88, $3  }
0x1: {  	(tag) =	ssettag $0x0;
	lr =	simm.s32 $0x1  }
0x2: {  	[smem:$0x3F91] =	sst lr;
	_ =	strace $0xD0000000  }
0x3: {  	_ = 	snop  }
0x4: {  	_ = 	snop  }
0x5: {  	_ = 	snop  }
0x6: {  	_ = 	snop  }
0x7: {  	_ = 	snop  }
__scs_overlays_trampoline_lowered:
0x8: {  	[smem:$0x3FA0] =	sst s0  }
0x9: {  	[smem:$0x3FA1] =	sst s1  }
0xa: {  	[smem:$0x3FA2] =	sst s2  }
0xb: {  	[smem:$0x3FA3] =	sst s3  }
0xc: {  	[smem:$0x3FA4] =	sst s4  }
0xd: {  	[smem:$0x3FA5] =	sst s5  }
0xe: {  	[smem:$0x3FA6] =	sst s6  }
0xf: {  	[smem:$0x3FA7] =	sst s7  }
0x10: {  	[smem:$0x3FA8] =	sst s8  }
0x11: {  	[smem:$0x3FA9] =	sst s9;
	s0 =	simm.s32 @!p0 $0x0  }
0x12: {  	s1 =	sld [smem:$0x3F8F];
	s0 =	simm.s32 @p0 $0x1  }
0x13: {  	[smem:$0x3FAA] =	sst s0;
	s0 =	simm.s32 @!p1 $0x0  }
0x14: {  	s2 =	sld [smem:$0x3F8E];
	s0 =	simm.s32 @p1 $0x1  }
0x15: {  	[smem:$0x3FAB] =	sst s0;
	s0 =	simm.s32 @!p2 $0x0  }
0x16: {  	s3 =	sld [smem:$0x3FDB];
	s0 =	simm.s32 @p2 $0x1  }
0x17: {  	s4 =	simm.s32 $0x1BF5;
	[smem:$0x3FAD] =	sst s0  }
0x18: {  	s0 =	sld [smem:$0x3F90];
	_ =	swait.ge [sflag:s4], $0x0  }
0x19: {  	s7 =	sld [smem:$0x3F91]  }
0x1a: {  	s8 =	sadd.s32 $0xFFFFE003, lr  }
0x1b: {  	s9 =	sadd.s32 $0xFFFFFEF7, lr;
	s5 =	simm.s32 $0xFFFFFFFF;
	p2 =	slt.u32 s8, $0xFFFFF086  }
0x1c: {  	p1 =	slt.u32 s9, $0xF7A;
	s5 =	simm.s32 @!p2 $0x0  }
0x1d: {  	s5 =	simm.s32 @p1 $0x1;
	p0 =	seq.s32 s7, s2  }
0x1e: {  	s7 =	smul.u32 @!p0 $0xF7A, s2;
	p2 =	seq.s32 @!p0 s5, $0x0  }
0x1f: {  	s9 =	smul.u32 $0xF7A, s1;
	s8 =	simm.s32 @!p0 $0x1BF5;
	p2 =	por !p2, p0  }
0x20: {  	[sflag:s8] =	ssyncset.s32 @!p0 $0xFFFFF086;
	s6 =	sadd.s32 @!p0 s3, s7;
	s7 =	simm.s32 @!p0 $0x108  }
0x21: {  	s3 =	sadd.s32 s3, s9;
	s6 =	sadd.s32 @!p0 $0x88, s6;
	s7 =	simm.s32 @p2 $0x1082  }
0x22: {  	[simem:s7], [sflag:s8] =	dma.local @!p0 [hbm:s6], $0xF7A  }
0x23: {  	s9 =	sor.u32 $0xD0000000, s2;
	s6 =	simm.s32 $0x108;
	_ =	swait.ge @!p0 [sflag:s8], $0x0  }
0x24: {  	s3 =	sadd.s32 $0x88, s3;
	s6 =	simm.s32 @!p1 $0x1082;
	[sflag:s4] =	ssyncset.s32 $0xFFFFF086  }
0x25: {  	[simem:s6], [sflag:s4] =	dma.local [hbm:s3], $0xF7A  }
0x26: {  	[smem:$0x3F91] =	sst s1;
	(tag) =	ssettag s2;
	_ =	strace s9  }
0x27: {  	s1 =	sld [smem:$0x3FA1]  }
0x28: {  	s2 =	sld [smem:$0x3FA2]  }
0x29: {  	s4 =	sld [smem:$0x3FA4]  }
0x2a: {  	p0 =	seq.s32 s5, $0x0;
	s5 =	sld [smem:$0x3FA5]  }
0x2b: {  	s6 =	sld [smem:$0x3FA6]  }
0x2c: {  	s7 =	sld [smem:$0x3FA7]  }
0x2d: {  	s3 =	simm.s32 $0x108;
	s8 =	sld [smem:$0x3FA8]  }
0x2e: {  	s3 =	simm.s32 @!p0 $0x1082;
	s9 =	sld [smem:$0x3FA9]  }
0x2f: {  	lr =	sadd.s32 s0, s3;
	s0 =	sld [smem:$0x3FA0]  }
0x30: {  	s3 =	sld [smem:$0x3FA3]  }
0x31: {  	[smem:$0x3FAC] =	sst s10  }
0x32: {  	s10 =	sld [smem:$0x3FAA];
	_ =	sdelay $0x3  }
0x33: {  	p0 =	seq.s32 s10, $0x1;
	s10 =	sld [smem:$0x3FAC];
	_ =	sdelay $0x3  }
0x34: {  	[smem:$0x3FAC] =	sst s10  }
0x35: {  	s10 =	sld [smem:$0x3FAB];
	_ =	sdelay $0x3  }
0x36: {  	p1 =	seq.s32 s10, $0x1;
	s10 =	sld [smem:$0x3FAC];
	_ =	sdelay $0x3  }
0x37: {  	[smem:$0x3FAC] =	sst s10  }
0x38: {  	s10 =	sld [smem:$0x3FAD]  }
0x39: {  	_ = 	snop;
	(pc) =	sbr.ind lr, $3  }
0x3a: {  	_ = 	snop  }
0x3b: {  	_ = 	snop  }
0x3c: {  	p2 =	seq.s32 s10, $0x1;
	s10 =	sld [smem:$0x3FAC]  }
0x3d: {  	_ =	shalt  }
0x3e: {  	_ =	shalt  }
0x3f: {  	_ =	shalt  }
0x40: {  	_ =	shalt  }
0x41: {  	_ =	shalt  }
0x42: {  	_ =	shalt  }
0x43: {  	_ =	shalt  }
0x44: {  	_ =	shalt  }
0x45: {  	_ =	shalt  }
0x46: {  	_ =	shalt  }
0x47: {  	_ =	shalt  }
0x48: {  	_ =	shalt  }
0x49: {  	_ =	shalt  }
0x4a: {  	_ =	shalt  }
0x4b: {  	_ =	shalt  }
0x4c: {  	_ =	shalt  }
0x4d: {  	_ =	shalt  }
0x4e: {  	_ =	shalt  }
0x4f: {  	_ =	shalt  }
0x50: {  	_ =	shalt  }
0x51: {  	_ =	shalt  }
0x52: {  	_ =	shalt  }
0x53: {  	_ =	shalt  }
0x54: {  	_ =	shalt  }
0x55: {  	_ =	shalt  }
0x56: {  	_ =	shalt  }
0x57: {  	_ =	shalt  }
0x58: {  	_ =	shalt  }
0x59: {  	_ =	shalt  }
0x5a: {  	_ =	shalt  }
0x5b: {  	_ =	shalt  }
0x5c: {  	_ =	shalt  }
0x5d: {  	_ =	shalt  }
0x5e: {  	_ =	shalt  }
0x5f: {  	_ =	shalt  }
0x60: {  	_ =	shalt  }
0x61: {  	_ =	shalt  }
0x62: {  	_ =	shalt  }
0x63: {  	_ =	shalt  }
0x64: {  	_ =	shalt  }
0x65: {  	_ =	shalt  }
0x66: {  	_ =	shalt  }
0x67: {  	_ =	shalt  }
0x68: {  	_ =	shalt  }
0x69: {  	_ =	shalt  }
0x6a: {  	_ =	shalt  }
0x6b: {  	_ =	shalt  }
0x6c: {  	_ =	shalt  }
0x6d: {  	_ =	shalt  }
0x6e: {  	_ =	shalt  }
0x6f: {  	_ =	shalt  }
0x70: {  	_ =	shalt  }
0x71: {  	_ =	shalt  }
0x72: {  	_ =	shalt  }
0x73: {  	_ =	shalt  }
0x74: {  	_ =	shalt  }
0x75: {  	_ =	shalt  }
0x76: {  	_ =	shalt  }
0x77: {  	_ =	shalt  }
0x78: {  	_ =	shalt  }
0x79: {  	_ =	shalt  }
0x7a: {  	_ =	shalt  }
0x7b: {  	_ =	shalt  }
0x7c: {  	_ =	shalt  }
0x7d: {  	_ =	shalt  }
0x7e: {  	_ =	shalt  }
0x7f: {  	_ =	shalt  }
0x80: {  	_ =	shalt  }
0x81: {  	_ =	shalt  }
0x82: {  	_ =	shalt  }
0x83: {  	_ =	shalt  }
0x84: {  	_ =	shalt  }
0x85: {  	_ =	shalt  }
0x86: {  	_ =	shalt  }
0x87: {  	_ =	shalt  }
.Lfunc_end0:
.L_simem_size_0:
called_computation.1_lowered:
.L_overlay_start_0:
0x88: {  	s2 =	sld [smem:$0x3FD9]  }
0x89: {  	s3 =	sld [smem:$0x3FFE];
	_ =	sdelay $0x1  }
0x8a: {  	s1 =	srdreg.scid  }
0x8b: {  	s0 =	sand.u32 $0x1, s1  }
0x8c: {  	s16 =	sshll.u32 s0, $0xA;
	s2 =	sadd.s32 s3, s2  }
0x8d: {  	s2 =	sadd.s32 s2, s16  }
0x8e: {  	[smem:$0x3FB8] =	sst s2  }
0x8f: {  	_ = 	snop  }
0x90: {  	(tm) =	ssettm $0x1  }
0x91: {  	s17 =	sld [smem:$0x3FFB];
	_ =	sdelay $0x3  }
0x92: {  	_ =	strace s17  }
0x93: {  	s2 =	sld [smem:$0x3FFC];
	_ =	sdelay $0x3  }
0x94: {  	_ =	strace s2  }
0x95: {  	s2 =	sld [smem:$0x3FFD];
	_ =	sdelay $0x3  }
0x96: {  	_ =	strace s2  }
0x97: {  	_ =	strace $0x8FFFFFFF  }
0x98: {  	s18 =	sld [smem:$0x3FDB];
	_ =	sdelay $0x1  }
0x99: {  	s19 =	simm.s32 $_scs_section_size  }
0x9a: {  	s4 =	simm.s32 $_size__tile_overlayer_lowered;
	s5 =	simm.s32 $_tile_overlayer_lowered  }
0x9b: {  	s22 =	simm.s32 $0x1BFF;
	s21 =	sshll.u32 s5, $0x1;
	s2 =	sadd.s32 s19, s18  }
0x9c: {  	s6 =	simm.s32 $0x0;
	s20 =	sshll.u32 s4, $0x1;
	s4 =	sadd.s32 s21, s2  }
0x9d: {  	[timem:s6], [sflag:s22] =	dma.local [hbm:s4], s20  }
0x9e: {  	_ =	swait.ge [sflag:s22], s20  }
0x9f: {  	s3 =	ssub.s32 $0x0, s20;
	[sflag:s22] =	ssyncset.done $0x0  }
0xa0: {  	[sflag:s22] =	ssyncadd.s32 s3;
	_ =	sdelay $0x1  }
0xa1: {  	s23 =	simm.s32 $0x1B8B  }
0xa2: {  	_ =	swait.ge [sflag:s23], $0x1  }
0xa3: {  	[sflag:s23] =	ssyncset.done $0x0  }
0xa4: {  	s25 =	simm.s32 $0x1B8E;
	s24 =	sld [smem:$0x3FFE];
	[sflag:s23] =	ssyncadd.s32 $0xFFFFFFFF  }
0xa5: {  	s26 =	simm.s32 $execute0_lowered;
	[smem:$0x3FD2] =	sst s25  }
0xa6: {  	s4 =	sshll.u32 s26, $0x1;
	_ =	strace $0x80000049;
	[dreg:$0x1] =	wrdreg $0xFFFFFFFF  }
0xa7: {  	s28 =	simm.s32 $_size_execute0_lowered;
	s2 =	sadd.s32 s2, s4;
	[dreg:$0x0] =	wrdreg $0x0  }
0xa8: {  	s4 =	sshll.u32 s28, $0x1;
	[dreg:$0x2] =	wrdreg s2  }
0xa9: {  	[dreg:$0x3] =	wrdreg s4  }
0xaa: {  	[dreg:$0x4] =	wrdreg $0xC0  }
0xab: {  	_ =	task [dreg:s6], $0x5FFFF  }
0xac: {  	[dreg:$0x1] =	wrdreg $0xFFFFFFFF  }
0xad: {  	[dreg:$0x0] =	wrdreg $0x60  }
0xae: {  	[dreg:$0x2] =	wrdreg s24  }
0xaf: {  	[dreg:$0x3] =	wrdreg $0x9  }
0xb0: {  	_ =	task.clear_ibuf [dreg:s6], $0x4FFFF;
	_ =	strace $0x90000049  }
0xb1: {  	s29 =	simm.s32 $0x9;
	_ =	strace $0x8000004B  }
0xb2: {  	_ =	swait.ge [sflag:s29], $0x1  }
0xb3: {  	[sflag:s29] =	ssyncadd.s32 $0xFFFFFFFF  }
0xb4: {  	_ =	strace $0x9000004B  }
0xb5: {  	_ =	sfence  }
0xb6: {  	s30 =	sld [smem:$0x0];
	_ =	sdelay $0x2  }
0xb7: {  	s31 =	sshll.u32 s1, $0xD;
	s1 =	sshrl.u32 s1, $0x2  }
0xb8: {  	s3 =	sand.u32 $0x4000, s31;
	s1 =	sadd.s32 s1, s30  }
0xb9: {  	s0 =	sor.u32 s3, s0;
	s1 =	sshll.u32 s1, $0x11  }
0xba: {  	s0 =	sor.u32 s1, s0  }
0xbb: {  	s0 =	sadd.s32 $0x8F2B, s0  }
0xbc: {  	[sflag:s0] =	ssyncadd.remote.s32 $0x1  }
0xbd: {  	_ =	sfence.sel $0xFFFF  }
0xbe: {  	[dreg:$0x0] =	wrdreg $0xFFFFFFFF;
	(pc) =	sbr.abs _section_cstart, $3  }
0xbf: {  	[dreg:$0x1] =	wrdreg $0xFFFFFFFF  }
0xc0: {  	_ =	task.clear_ibuf [dreg:s6], $0x2FFFF;
	_ =	strace $0x9FFFFFFF  }
0xc1: {  	(tm) =	ssettm $0x7FFFFFFF  }
tec
execute0_lowered:
.L_overlay_start_1:
0x0: {  	(tag) =	ssettag $0x1  }
0x1: {  	s1 =	srdreg.scid  }
0x2: {  	s0 =	stileid.u32;
	s4 =	rddreg [dreg:$0x0];
	s2 =	simm.s32 $0x0  }
0x3: {  	s12 =	simm.s32 $0x3;
	s13 =	simm.s32 $0x80;
	s14 =	simm.s32 $0x3E80  }
0x4: {  	s15 =	simm.s32 $0x4680;
	s16 =	simm.s32 $0x100;
	s17 =	simm.s32 $0x4E80  }
0x5: {  	s18 =	simm.s32 $0x180;
	s19 =	simm.s32 $0x5680;
	s20 =	simm.s32 $0x200  }
0x6: {  	s21 =	simm.s32 $0x5E80;
	s22 =	simm.s32 $0x1;
	s23 =	simm.s32 $0x2  }
0x7: {  	s24 =	simm.s32 $0x0;
	s6 =	sand.u32 $0x1, s1;
	s3 =	sshll.u32 s0, $0x1  }
0x8: {  	s1 =	rddreg [dreg:$0x1];
	s31 =	smul.u32 $0xFA00, s0;
	s5 =	sor.u32 s6, s3  }
0x9: {  	[smem:$0x7FF] =	sst s2;
	s10 =	sadd.s32 $0x8F2C00, s4;
	s7 =	smul.u32 $0x7D0, s5  }
0xa: {  	_ =	strace $0x8000004A;
	s8 =	ssub.s32 $0x2, s6;
	s5 =	smul.u32 $0x7D00, s5  }
0xb: {  	s3 =	sadd.s32 $0x43800, s4;
	s11 =	smul.u32 $0x7D00, s6;
	s9 =	sshrl.u32 s8, $0x1  }
0xc: {  	s8 =	ssub.s32 s8, s9;
	s7 =	sadd.s32 s7, s4;
	s5 =	sadd.s32 s10, s5  }
0xd: {  	s6 =	smax.u32 s8, $0x1;
	s10 =	sadd.s32 s31, s10;
	s4 =	sadd.s32 $0x8E3200, s7  }
0xe: {  	s7 =	sadd.s32 $0x100, s5;
	s8 =	sadd.s32 $0x200, s5;
	s11 =	sadd.s32 s11, s10  }
0xf: {  	s9 =	sadd.s32 $0x300, s5;
	s10 =	sadd.s32 $0x400, s5;
	s11 =	sadd.s32 $0x500, s11  }
.LBB2_1:
0x10: {  	[tilespmem:s2], [sflag:$0x3] =	stream.linear.gather [hbm4b:s4+s2], $0x3E80, $0x38;
	[tilespmem:$0x6680] =	vst v63  }
0x11: {  	_ =	swait.ge [sflag:s12], $0x3E80  }
0x12: {  	[sflag:s12] =	ssyncset.done $0x0  }
0x13: {  	[sflag:s12] =	ssyncadd.s32 $0xFFFFC180  }
0x14: {  	[tilespmem:s14], [sflag:$0x1] =	stream.indirect.gather [hbm4b:s3+s13], $0x10, s2, s13, $0xb8;
	[tilespmem:$0x6680] =	vst v63  }
0x15: {  	_ = 	snop  }
0x16: {  	[tilespmem:s15], [sflag:$0x1] =	stream.indirect.gather [hbm4b:s3+s13], $0x10, s13, s13, $0xb8;
	[tilespmem:$0x6680] =	vst v63  }
0x17: {  	_ = 	snop  }
0x18: {  	[tilespmem:s17], [sflag:$0x1] =	stream.indirect.gather [hbm4b:s3+s13], $0x10, s16, s13, $0xb8;
	[tilespmem:$0x6680] =	vst v63  }
0x19: {  	_ = 	snop  }
0x1a: {  	[tilespmem:s19], [sflag:$0x1] =	stream.indirect.gather [hbm4b:s3+s13], $0x10, s18, s13, $0xb8;
	[tilespmem:$0x6680] =	vst v63  }
0x1b: {  	_ = 	snop  }
0x1c: {  	[tilespmem:s21], [sflag:$0x1] =	stream.indirect.gather [hbm4b:s3+s13], $0x10, s20, s13, $0xb8;
	[tilespmem:$0x6680] =	vst v63  }
0x1d: {  	_ =	swait.ge [sflag:s22], $0x800  }
0x1e: {  	[sflag:s22] =	ssyncset.done $0x0  }
0x1f: {  	[sflag:s22] =	ssyncadd.s32 $0xFFFFF800  }
0x20: {  	[hbm4b:s5+s2] =	stream.linear.scatter [tilespmem:s14], [sflag:$0x2], $0x800, $0x38;
	[tilespmem:$0x6680] =	vst v63  }
0x21: {  	_ =	swait.ge [sflag:s22], $0x800  }
0x22: {  	[sflag:s22] =	ssyncset.done $0x0  }
0x23: {  	[sflag:s22] =	ssyncadd.s32 $0xFFFFF800  }
0x24: {  	[hbm4b:s7+s2] =	stream.linear.scatter [tilespmem:s15], [sflag:$0x2], $0x800, $0x38;
	[tilespmem:$0x6680] =	vst v63  }
0x25: {  	_ =	swait.ge [sflag:s22], $0x800  }
0x26: {  	[sflag:s22] =	ssyncset.done $0x0  }
0x27: {  	[sflag:s22] =	ssyncadd.s32 $0xFFFFF800  }
0x28: {  	[hbm4b:s8+s2] =	stream.linear.scatter [tilespmem:s17], [sflag:$0x2], $0x800, $0x38;
	[tilespmem:$0x6680] =	vst v63  }
0x29: {  	_ =	swait.ge [sflag:s22], $0x800  }
0x2a: {  	[sflag:s22] =	ssyncset.done $0x0  }
0x2b: {  	[sflag:s22] =	ssyncadd.s32 $0xFFFFF800  }
0x2c: {  	[hbm4b:s9+s2] =	stream.linear.scatter [tilespmem:s19], [sflag:$0x2], $0x800, $0x38;
	[tilespmem:$0x6680] =	vst v63  }
0x2d: {  	_ =	swait.ge [sflag:s22], $0x800  }
0x2e: {  	[sflag:s22] =	ssyncset.done $0x0  }
0x2f: {  	[sflag:s22] =	ssyncadd.s32 $0xFFFFF800  }
0x30: {  	[hbm4b:s10+s2] =	stream.linear.scatter [tilespmem:s21], [sflag:$0x2], $0x800, $0x38;
	[tilespmem:$0x6680] =	vst v63  }
0x31: {  	_ =	swait.ge [sflag:s23], $0x800  }
0x32: {  	[sflag:s23] =	ssyncset.done $0x0  }
0x33: {  	[sflag:s23] =	ssyncadd.s32 $0xFFFFF800  }
0x34: {  	_ =	swait.ge [sflag:s23], $0x800  }
0x35: {  	[sflag:s23] =	ssyncset.done $0x0  }
0x36: {  	[sflag:s23] =	ssyncadd.s32 $0xFFFFF800  }
0x37: {  	_ =	swait.ge [sflag:s23], $0x800  }
0x38: {  	[sflag:s23] =	ssyncset.done $0x0  }
0x39: {  	[sflag:s23] =	ssyncadd.s32 $0xFFFFF800  }
0x3a: {  	_ =	swait.ge [sflag:s23], $0x800  }
0x3b: {  	[sflag:s23] =	ssyncset.done $0x0  }
0x3c: {  	[sflag:s23] =	ssyncadd.s32 $0xFFFFF800  }
0x3d: {  	_ =	swait.ge [sflag:s23], $0x800  }
0x3e: {  	[sflag:s23] =	ssyncset.done $0x0  }
0x3f: {  	s25 =	simm.s32 $0x280;
	[sflag:s23] =	ssyncadd.s32 $0xFFFFF800  }
0x40: {  	[tilespmem:s14], [sflag:$0x1] =	stream.indirect.gather [hbm4b:s3+s13], $0x10, s25, s13, $0xb8;
	[tilespmem:$0x6680] =	vst v63  }
0x41: {  	s29 =	simm.s32 $0x300  }
0x42: {  	[tilespmem:s15], [sflag:$0x1] =	stream.indirect.gather [hbm4b:s3+s13], $0x10, s29, s13, $0xb8;
	[tilespmem:$0x6680] =	vst v63  }
0x43: {  	s30 =	simm.s32 $0x380  }
0x44: {  	[tilespmem:s17], [sflag:$0x1] =	stream.indirect.gather [hbm4b:s3+s13], $0x10, s30, s13, $0xb8;
	[tilespmem:$0x6680] =	vst v63  }
0x45: {  	s31 =	simm.s32 $0x400  }
0x46: {  	[tilespmem:s19], [sflag:$0x1] =	stream.indirect.gather [hbm4b:s3+s13], $0x10, s31, s13, $0xb8;
	[tilespmem:$0x6680] =	vst v63  }
0x47: {  	s26 =	simm.s32 $0x480  }
0x48: {  	[tilespmem:s21], [sflag:$0x1] =	stream.indirect.gather [hbm4b:s3+s13], $0x10, s26, s13, $0xb8;
	[tilespmem:$0x6680] =	vst v63  }
0x49: {  	_ =	swait.ge [sflag:s22], $0x800  }
0x4a: {  	[sflag:s22] =	ssyncset.done $0x0  }
0x4b: {  	[sflag:s22] =	ssyncadd.s32 $0xFFFFF800  }
0x4c: {  	[hbm4b:s11+s2] =	stream.linear.scatter [tilespmem:s14], [sflag:$0x2], $0x800, $0x38;
	[tilespmem:$0x6680] =	vst v63  }
0x4d: {  	_ =	swait.ge [sflag:s22], $0x800  }
0x4e: {  	[sflag:s22] =	ssyncset.done $0x0  }
0x4f: {  	s29 =	sadd.s32 $0x100, s11;
	[sflag:s22] =	ssyncadd.s32 $0xFFFFF800  }
0x50: {  	[hbm4b:s29+s2] =	stream.linear.scatter [tilespmem:s15], [sflag:$0x2], $0x800, $0x38;
	[tilespmem:$0x6680] =	vst v63  }
0x51: {  	_ =	swait.ge [sflag:s22], $0x800  }
0x52: {  	[sflag:s22] =	ssyncset.done $0x0  }
0x53: {  	s30 =	sadd.s32 $0x200, s11;
	[sflag:s22] =	ssyncadd.s32 $0xFFFFF800  }
0x54: {  	[hbm4b:s30+s2] =	stream.linear.scatter [tilespmem:s17], [sflag:$0x2], $0x800, $0x38;
	[tilespmem:$0x6680] =	vst v63  }
0x55: {  	_ =	swait.ge [sflag:s22], $0x800  }
0x56: {  	[sflag:s22] =	ssyncset.done $0x0  }
0x57: {  	s31 =	sadd.s32 $0x300, s11;
	[sflag:s22] =	ssyncadd.s32 $0xFFFFF800  }
0x58: {  	[hbm4b:s31+s2] =	stream.linear.scatter [tilespmem:s19], [sflag:$0x2], $0x800, $0x38;
	[tilespmem:$0x6680] =	vst v63  }
0x59: {  	_ =	swait.ge [sflag:s22], $0x800  }
0x5a: {  	s28 =	sadd.s32 $0x400, s11;
	[sflag:s22] =	ssyncset.done $0x0  }
0x5b: {  	s25 =	simm.s32 $0xA00;
	s26 =	sadd.s32 $0x500, s11;
	[sflag:s22] =	ssyncadd.s32 $0xFFFFF800  }
.LBB2_2:
0x5c: {  	[hbm4b:s28+s2] =	stream.linear.scatter [tilespmem:s21], [sflag:$0x2], $0x800, $0x38;
	[tilespmem:$0x6680] =	vst v63  }
0x5d: {  	s28 =	smov.u32 s25  }
0x5e: {  	p0 =	sne.s32 s25, $0xE600;
	s25 =	sadd.s32 $0xA00, s25;
	_ =	swait.ge [sflag:s23], $0x800  }
0x5f: {  	[sflag:s23] =	ssyncset.done $0x0  }
0x60: {  	[sflag:s23] =	ssyncadd.s32 $0xFFFFF800  }
0x61: {  	_ =	swait.ge [sflag:s23], $0x800  }
0x62: {  	[sflag:s23] =	ssyncset.done $0x0  }
0x63: {  	[sflag:s23] =	ssyncadd.s32 $0xFFFFF800  }
0x64: {  	_ =	swait.ge [sflag:s23], $0x800  }
0x65: {  	[sflag:s23] =	ssyncset.done $0x0  }
0x66: {  	[sflag:s23] =	ssyncadd.s32 $0xFFFFF800  }
0x67: {  	_ =	swait.ge [sflag:s23], $0x800  }
0x68: {  	[sflag:s23] =	ssyncset.done $0x0  }
0x69: {  	[sflag:s23] =	ssyncadd.s32 $0xFFFFF800  }
0x6a: {  	_ =	swait.ge [sflag:s23], $0x800  }
0x6b: {  	s28 =	sshra.s32 s28, $0x2;
	[sflag:s23] =	ssyncset.done $0x0  }
0x6c: {  	s29 =	sadd.s32 $0x280, s28;
	[sflag:s23] =	ssyncadd.s32 $0xFFFFF800  }
0x6d: {  	[tilespmem:s14], [sflag:$0x1] =	stream.indirect.gather [hbm4b:s3+s13], $0x10, s29, s13, $0xb8;
	[tilespmem:$0x6680] =	vst v63  }
0x6e: {  	s29 =	sadd.s32 $0x300, s28  }
0x6f: {  	[tilespmem:s15], [sflag:$0x1] =	stream.indirect.gather [hbm4b:s3+s13], $0x10, s29, s13, $0xb8;
	[tilespmem:$0x6680] =	vst v63  }
0x70: {  	s29 =	sadd.s32 $0x380, s28  }
0x71: {  	[tilespmem:s17], [sflag:$0x1] =	stream.indirect.gather [hbm4b:s3+s13], $0x10, s29, s13, $0xb8;
	[tilespmem:$0x6680] =	vst v63  }
0x72: {  	s29 =	sadd.s32 $0x400, s28  }
0x73: {  	[tilespmem:s19], [sflag:$0x1] =	stream.indirect.gather [hbm4b:s3+s13], $0x10, s29, s13, $0xb8;
	[tilespmem:$0x6680] =	vst v63  }
0x74: {  	s28 =	sadd.s32 $0x480, s28  }
0x75: {  	[tilespmem:s21], [sflag:$0x1] =	stream.indirect.gather [hbm4b:s3+s13], $0x10, s28, s13, $0xb8;
	[tilespmem:$0x6680] =	vst v63  }
0x76: {  	_ =	swait.ge [sflag:s22], $0x800  }
0x77: {  	[sflag:s22] =	ssyncset.done $0x0  }
0x78: {  	[sflag:s22] =	ssyncadd.s32 $0xFFFFF800  }
0x79: {  	[hbm4b:s26+s2] =	stream.linear.scatter [tilespmem:s14], [sflag:$0x2], $0x800, $0x38;
	[tilespmem:$0x6680] =	vst v63  }
0x7a: {  	_ =	swait.ge [sflag:s22], $0x800  }
0x7b: {  	[sflag:s22] =	ssyncset.done $0x0  }
0x7c: {  	s28 =	sadd.s32 $0x100, s26;
	[sflag:s22] =	ssyncadd.s32 $0xFFFFF800  }
0x7d: {  	[hbm4b:s28+s2] =	stream.linear.scatter [tilespmem:s15], [sflag:$0x2], $0x800, $0x38;
	[tilespmem:$0x6680] =	vst v63  }
0x7e: {  	_ =	swait.ge [sflag:s22], $0x800  }
0x7f: {  	[sflag:s22] =	ssyncset.done $0x0  }
0x80: {  	s28 =	sadd.s32 $0x200, s26;
	[sflag:s22] =	ssyncadd.s32 $0xFFFFF800  }
0x81: {  	[hbm4b:s28+s2] =	stream.linear.scatter [tilespmem:s17], [sflag:$0x2], $0x800, $0x38;
	[tilespmem:$0x6680] =	vst v63  }
0x82: {  	_ =	swait.ge [sflag:s22], $0x800  }
0x83: {  	[sflag:s22] =	ssyncset.done $0x0  }
.Ltmp0:
0x84: {  	s28 =	sadd.s32 $0x300, s26;
	[sflag:s22] =	ssyncadd.s32 $0xFFFFF800;
	(pc) =	sbr.rel @p0 .LBB2_2-.Ltmp0, $4  }
0x85: {  	[hbm4b:s28+s2] =	stream.linear.scatter [tilespmem:s19], [sflag:$0x2], $0x800, $0x38;
	[tilespmem:$0x6680] =	vst v63  }
0x86: {  	_ =	swait.ge [sflag:s22], $0x800  }
0x87: {  	[sflag:s22] =	ssyncset.done $0x0  }
0x88: {  	s28 =	sadd.s32 $0x400, s26;
	s26 =	sadd.s32 $0x500, s26;
	[sflag:s22] =	ssyncadd.s32 $0xFFFFF800  }
0x89: {  	[hbm4b:s28+s2] =	stream.linear.scatter [tilespmem:s21], [sflag:$0x2], $0x800, $0x38;
	[tilespmem:$0x6680] =	vst v63  }
0x8a: {  	_ =	swait.ge [sflag:s23], $0x800  }
0x8b: {  	[sflag:s23] =	ssyncset.done $0x0  }
0x8c: {  	[sflag:s23] =	ssyncadd.s32 $0xFFFFF800  }
0x8d: {  	_ =	swait.ge [sflag:s23], $0x800  }
0x8e: {  	[sflag:s23] =	ssyncset.done $0x0  }
0x8f: {  	[sflag:s23] =	ssyncadd.s32 $0xFFFFF800  }
0x90: {  	_ =	swait.ge [sflag:s23], $0x800  }
0x91: {  	[sflag:s23] =	ssyncset.done $0x0  }
0x92: {  	s24 =	sadd.s32 $0x1, s24;
	[sflag:s23] =	ssyncadd.s32 $0xFFFFF800  }
0x93: {  	p0 =	sne.s32 s24, s6;
	_ =	swait.ge [sflag:s23], $0x800  }
.Ltmp1:
0x94: {  	[sflag:s23] =	ssyncset.done $0x0;
	(pc) =	sbr.rel @p0 .LBB2_1-.Ltmp1, $4  }
0x95: {  	[sflag:s23] =	ssyncadd.s32 $0xFFFFF800  }
0x96: {  	_ =	swait.ge [sflag:s23], $0x800  }
0x97: {  	[sflag:s23] =	ssyncset.done $0x0  }
0x98: {  	[sflag:s23] =	ssyncadd.s32 $0xFFFFF800  }
0x99: {  	_ =	sfence.sel $0x180000  }
0x9a: {  	[bflag:$0x0] =	sbarrier.arrive $0xFFFF  }
0x9b: {  	p0 =	sne.s32 s0, $0x0;
	_ =	strace $0x9000004A  }
0x9c: {  	s0 =	sadd.s32 @!p0 $0x100000, s1;
	[bflag:$0x2] =	sbarrier.arrive $0xFFFF  }
0x9d: {  	[sflag:s0] =	ssyncadd.tile.s32 @!p0 $0x1;
	_ =	shalt  }
.Lfunc_end2:
_tile_overlayer_lowered:
.L_overlay_start_2:
0x9e: {  	(tag) =	ssettag $0x2  }
0x9f: {  	s0 =	rddreg [dreg:$0x0];
	s2 =	stileid.u32  }
0xa0: {  	s1 =	rddreg [dreg:$0x1];
	p0 =	sne.s32 s2, $0x0  }
0xa1: {  	s3 =	rddreg [dreg:$0x2];
	[bflag:$0x3] =	sbarrier.arrive $0xFFFF;
	s2 =	simm.s32 @!p0 $0x1C03  }
0xa2: {  	[timem:s3], [sflag:s2] =	dma.local @!p0 [hbm:s0], s1  }
0xa3: {  	s0 =	simm.s32 @!p0 $0x3  }
0xa4: {  	_ =	swait.ge @!p0 [sflag:s0], s1  }
0xa5: {  	s1 =	ssub.s32 @!p0 $0x0, s1;
	[sflag:s0] =	ssyncset.done @!p0 $0x0  }
0xa6: {  	[sflag:s0] =	ssyncadd.s32 @!p0 s1  }
0xa7: {  	[bflag:$0x3] =	sbarrier.arrive $0xFFFF  }
0xa8: {  	_ =	shalt  }

</sc_bundles>
